<compile_context>
chip_gen: v7x
topology: tpu7x:2x2x1
jax: 0.10.2.dev20260603
libtpu: 0.0.44.dev20260713+nightly
codegen_flags: <defaults>
</compile_context>

<pallas_src>
import functools

import jax
import jax.numpy as jnp
from jax import lax
from jax.experimental import pallas as pl
from jax.experimental.pallas import tpu as pltpu
from jax.experimental.pallas import tpu_sc as plsc

B = 16384
D = 64
CHUNK = 128


@functools.cache
def _make_gather(R):
    info = plsc.get_sparse_core_info()
    NC, NS = info.num_cores, info.num_subcores
    NW = NC * NS
    CPW = B // NW // CHUNK
    mesh = plsc.VectorSubcoreMesh(core_axis_name="c", subcore_axis_name="s")

    @functools.partial(
        pl.kernel,
        mesh=mesh,
        out_type=jax.ShapeDtypeStruct((B // CHUNK, CHUNK, 2 * D), jnp.float32),
        scratch_types=[
            pltpu.VMEM((CPW, CHUNK), jnp.int32),
            pltpu.VMEM((CPW, CHUNK), jnp.int32),
            pltpu.VMEM((CPW, CHUNK, 2 * D), jnp.float32),
            pltpu.SemaphoreType.DMA,
        ],
    )
    def gather_kernel(idx_hbm, tab_hbm, out_hbm, idx_v, idxp_v, rows_v, sem):
        wid = lax.axis_index("s") * NC + lax.axis_index("c")
        base = wid * CPW
        pltpu.sync_copy(idx_hbm.at[pl.ds(base, CPW)], idx_v)
        for j in range(CPW):
            for g in range(CHUNK // 16):
                s = pl.ds(g * 16, 16)
                idxp_v[j, s] = lax.shift_right_logical(idx_v[j, s], 1)
        copies = [
            pltpu.async_copy(tab_hbm.at[idxp_v.at[j]], rows_v.at[j], sem)
            for j in range(CPW)
        ]
        for c in copies:
            c.wait()
        pltpu.sync_copy(rows_v, out_hbm.at[pl.ds(base, CPW)])

    return gather_kernel


def kernel(dom_idx, paras, weight):
    del weight
    tab2 = paras.reshape(paras.shape[0] // 2, 2 * D)
    idx2 = dom_idx.reshape(B // CHUNK, CHUNK)
    wide = _make_gather(tab2.shape[0])(idx2, tab2).reshape(B, 2 * D)
    odd = (dom_idx & 1)[:, None] == 1
    return jnp.where(odd, wide[:, D:], wide[:, :D])

# --- scband reference (transcript-rebuilt; emitter-appended) ---
"""Pipeline reference for scband-ada-in-para-v2-89335319757191 (READ-ONLY COPY).

The authoritative reference and input builder live on the scoring server;
editing this copy changes nothing except your own understanding.
"""

import jax, jax.numpy as jnp
import numpy as np

NUM_DOMS = 1000000
NUM_CHANNELS = 64
BATCH = 16384

def setup_inputs(seed: int = 0) -> dict:
    key = jax.random.key(seed)
    k1, k2 = jax.random.split(key, 2)
    dom_idx = jax.random.randint(k1, (BATCH,), 0, NUM_DOMS, dtype=jnp.int64 if jax.config.jax_enable_x64 else jnp.int32).astype(jnp.int32)
    # learned parameters sized per init_kwargs
    paras = jax.random.normal(k2, (NUM_DOMS, NUM_CHANNELS), dtype=jnp.float32)
    weight = jnp.ones((NUM_DOMS, 1), dtype=jnp.float32)
    return {"dom_idx": dom_idx, "paras": paras, "weight": weight}

def reference(dom_idx, paras, weight):
    # dom_idx is provided, so forward takes the embedding-lookup branch:
    # x = self.paras[dom_idx]; weight is unused in this branch.
    x = jnp.take(paras, dom_idx, axis=0)
    return x

if __name__ == "__main__":
    import jax
    _d = setup_inputs()
    print(jax.jit(kernel)(*tuple(_d.values())))

</pallas_src>

<mosaic_0001>
#map = affine_map<(d0, d1) -> (0, 0)>
#map1 = affine_map<(d0, d1) -> (0, 0, 0)>
module attributes {stable_mosaic.version = 14 : i64} {
  func.func @gather_kernel(%arg0: i32, %arg1: i32, %arg2: memref<128x128xi32, #tpu.memory_space<hbm>>, %arg3: memref<500000x128xf32, #tpu.memory_space<hbm>>, %arg4: memref<128x128x128xf32, #tpu.memory_space<hbm>>, %arg5: memref<4x128xi32, #tpu.memory_space<vmem>>, %arg6: memref<4x128xi32, #tpu.memory_space<vmem>>, %arg7: memref<4x128x128xf32, #tpu.memory_space<vmem>>, %arg8: memref<!tpu.dma_semaphore, #tpu.memory_space<semaphore_mem>>) attributes {dimension_semantics = [#tpu.dimension_semantics<core_parallel>, #tpu.dimension_semantics<subcore_parallel>], iteration_bounds = array<i64: 2, 16>, scalar_prefetch = 0 : i64, scratch_operands = 4 : i64, tpu.core_type = #tpu.core_type<sc_vector_subcore>, window_params = [{transform_indices = #map}, {transform_indices = #map}, {transform_indices = #map1}]} {
    %mul3A = arith.constant 2 : i32
    %mul3A_0 = arith.muli %arg1, %mul3A : i32
    %add3A = arith.addi %mul3A_0, %arg0 : i32
    %mul3A_1 = arith.constant 4 : i32
    %mul3A_2 = arith.muli %add3A, %mul3A_1 : i32
    "tpu.region"() ({
      %run_scoped3A = tpu.sem_alloc : memref<!tpu.dma_semaphore, #tpu.memory_space<semaphore_mem>>
      %dma_start3A_542 = arith.constant 0 : i32
      %dma_start3A_543 = tpu.memref_slice %arg2[%mul3A_2, %dma_start3A_542] : memref<128x128xi32, #tpu.memory_space<hbm>> -> memref<4x128xi32, #tpu.memory_space<hbm>>
      %dma_start3A_544 = arith.constant 0 : i32
      %dma_start3A_545 = tpu.memref_slice %arg2[%mul3A_2, %dma_start3A_544] : memref<128x128xi32, #tpu.memory_space<hbm>> -> memref<4x128xi32, #tpu.memory_space<hbm>>
      tpu.enqueue_dma source(%dma_start3A_545 : memref<4x128xi32, #tpu.memory_space<hbm>>) target(%arg5 : memref<4x128xi32, #tpu.memory_space<vmem>>) target_semaphore(%run_scoped3A : memref<!tpu.dma_semaphore, #tpu.memory_space<semaphore_mem>>)
      %dma_wait3A_546 = arith.constant 0 : i32
      %dma_wait3A_547 = tpu.memref_slice %arg2[%mul3A_2, %dma_wait3A_546] : memref<128x128xi32, #tpu.memory_space<hbm>> -> memref<4x128xi32, #tpu.memory_space<hbm>>
      %dma_wait3A_548 = arith.constant 0 : i32
      %dma_wait3A_549 = tpu.memref_slice %arg2[%mul3A_2, %dma_wait3A_548] : memref<128x128xi32, #tpu.memory_space<hbm>> -> memref<4x128xi32, #tpu.memory_space<hbm>>
      tpu.wait_dma2 semaphore(%run_scoped3A : memref<!tpu.dma_semaphore, #tpu.memory_space<semaphore_mem>>) src(%dma_wait3A_549 : memref<4x128xi32, #tpu.memory_space<hbm>>) dst(%arg5 : memref<4x128xi32, #tpu.memory_space<vmem>>)
      tpu.yield
    }) : () -> ()
    %get3A = arith.constant 0 : i32
    %get3A_3 = arith.index_cast %get3A : i32 to index
    %get3A_4 = arith.constant 0 : index
    %get3A_5 = tpu.vector_load %arg5[%get3A_3, %get3A_4] {strides = array<i32>} : memref<4x128xi32, #tpu.memory_space<vmem>>, vector<1x16xi32>,
    %get3A_6 = vector.shape_cast %get3A_5 : vector<1x16xi32> to vector<16xi32>
    %shift_right_logical3A = arith.constant 1 : i32
    %shift_right_logical3A_7 = vector.broadcast %shift_right_logical3A : i32 to vector<16xi32>
    %shift_right_logical3A_8 = arith.shrui %get3A_6, %shift_right_logical3A_7 : vector<16xi32>
    %swap3A = arith.constant 0 : i32
    %swap3A_9 = arith.index_cast %swap3A : i32 to index
    %swap3A_10 = arith.constant 0 : index
    %swap3A_11 = tpu.vector_load %arg6[%swap3A_9, %swap3A_10] {strides = array<i32>} : memref<4x128xi32, #tpu.memory_space<vmem>>, vector<1x16xi32>,
    %swap3A_12 = vector.shape_cast %swap3A_11 : vector<1x16xi32> to vector<16xi32>
    %swap3A_13 = vector.shape_cast %shift_right_logical3A_8 : vector<16xi32> to vector<1x16xi32>
    tpu.vector_store %arg6[%swap3A_9, %swap3A_10], %swap3A_13 {strides = array<i32>} : memref<4x128xi32, #tpu.memory_space<vmem>>, vector<1x16xi32>,
    %get3A_14 = arith.constant 0 : i32
    %get3A_15 = arith.index_cast %get3A_14 : i32 to index
    %get3A_16 = arith.constant 16 : index
    %get3A_17 = tpu.vector_load %arg5[%get3A_15, %get3A_16] {strides = array<i32>} : memref<4x128xi32, #tpu.memory_space<vmem>>, vector<1x16xi32>,
    %get3A_18 = vector.shape_cast %get3A_17 : vector<1x16xi32> to vector<16xi32>
    %shift_right_logical3A_19 = arith.constant 1 : i32
    %shift_right_logical3A_20 = vector.broadcast %shift_right_logical3A_19 : i32 to vector<16xi32>
    %shift_right_logical3A_21 = arith.shrui %get3A_18, %shift_right_logical3A_20 : vector<16xi32>
    %swap3A_22 = arith.constant 0 : i32
    %swap3A_23 = arith.index_cast %swap3A_22 : i32 to index
    %swap3A_24 = arith.constant 16 : index
    %swap3A_25 = tpu.vector_load %arg6[%swap3A_23, %swap3A_24] {strides = array<i32>} : memref<4x128xi32, #tpu.memory_space<vmem>>, vector<1x16xi32>,
    %swap3A_26 = vector.shape_cast %swap3A_25 : vector<1x16xi32> to vector<16xi32>
    %swap3A_27 = vector.shape_cast %shift_right_logical3A_21 : vector<16xi32> to vector<1x16xi32>
    tpu.vector_store %arg6[%swap3A_23, %swap3A_24], %swap3A_27 {strides = array<i32>} : memref<4x128xi32, #tpu.memory_space<vmem>>, vector<1x16xi32>,
    %get3A_28 = arith.constant 0 : i32
    %get3A_29 = arith.index_cast %get3A_28 : i32 to index
    %get3A_30 = arith.constant 32 : index
    %get3A_31 = tpu.vector_load %arg5[%get3A_29, %get3A_30] {strides = array<i32>} : memref<4x128xi32, #tpu.memory_space<vmem>>, vector<1x16xi32>,
    %get3A_32 = vector.shape_cast %get3A_31 : vector<1x16xi32> to vector<16xi32>
    %shift_right_logical3A_33 = arith.constant 1 : i32
    %shift_right_logical3A_34 = vector.broadcast %shift_right_logical3A_33 : i32 to vector<16xi32>
    %shift_right_logical3A_35 = arith.shrui %get3A_32, %shift_right_logical3A_34 : vector<16xi32>
    %swap3A_36 = arith.constant 0 : i32
    %swap3A_37 = arith.index_cast %swap3A_36 : i32 to index
    %swap3A_38 = arith.constant 32 : index
    %swap3A_39 = tpu.vector_load %arg6[%swap3A_37, %swap3A_38] {strides = array<i32>} : memref<4x128xi32, #tpu.memory_space<vmem>>, vector<1x16xi32>,
    %swap3A_40 = vector.shape_cast %swap3A_39 : vector<1x16xi32> to vector<16xi32>
    %swap3A_41 = vector.shape_cast %shift_right_logical3A_35 : vector<16xi32> to vector<1x16xi32>
    tpu.vector_store %arg6[%swap3A_37, %swap3A_38], %swap3A_41 {strides = array<i32>} : memref<4x128xi32, #tpu.memory_space<vmem>>, vector<1x16xi32>,
    %get3A_42 = arith.constant 0 : i32
    %get3A_43 = arith.index_cast %get3A_42 : i32 to index
    %get3A_44 = arith.constant 48 : index
    %get3A_45 = tpu.vector_load %arg5[%get3A_43, %get3A_44] {strides = array<i32>} : memref<4x128xi32, #tpu.memory_space<vmem>>, vector<1x16xi32>,
    %get3A_46 = vector.shape_cast %get3A_45 : vector<1x16xi32> to vector<16xi32>
    %shift_right_logical3A_47 = arith.constant 1 : i32
    %shift_right_logical3A_48 = vector.broadcast %shift_right_logical3A_47 : i32 to vector<16xi32>
    %shift_right_logical3A_49 = arith.shrui %get3A_46, %shift_right_logical3A_48 : vector<16xi32>
    %swap3A_50 = arith.constant 0 : i32
    %swap3A_51 = arith.index_cast %swap3A_50 : i32 to index
    %swap3A_52 = arith.constant 48 : index
    %swap3A_53 = tpu.vector_load %arg6[%swap3A_51, %swap3A_52] {strides = array<i32>} : memref<4x128xi32, #tpu.memory_space<vmem>>, vector<1x16xi32>,
    %swap3A_54 = vector.shape_cast %swap3A_53 : vector<1x16xi32> to vector<16xi32>
    %swap3A_55 = vector.shape_cast %shift_right_logical3A_49 : vector<16xi32> to vector<1x16xi32>
    tpu.vector_store %arg6[%swap3A_51, %swap3A_52], %swap3A_55 {strides = array<i32>} : memref<4x128xi32, #tpu.memory_space<vmem>>, vector<1x16xi32>,
    %get3A_56 = arith.constant 0 : i32
    %get3A_57 = arith.index_cast %get3A_56 : i32 to index
    %get3A_58 = arith.constant 64 : index
    %get3A_59 = tpu.vector_load %arg5[%get3A_57, %get3A_58] {strides = array<i32>} : memref<4x128xi32, #tpu.memory_space<vmem>>, vector<1x16xi32>,
    %get3A_60 = vector.shape_cast %get3A_59 : vector<1x16xi32> to vector<16xi32>
    %shift_right_logical3A_61 = arith.constant 1 : i32
    %shift_right_logical3A_62 = vector.broadcast %shift_right_logical3A_61 : i32 to vector<16xi32>
    %shift_right_logical3A_63 = arith.shrui %get3A_60, %shift_right_logical3A_62 : vector<16xi32>
    %swap3A_64 = arith.constant 0 : i32
    %swap3A_65 = arith.index_cast %swap3A_64 : i32 to index
    %swap3A_66 = arith.constant 64 : index
    %swap3A_67 = tpu.vector_load %arg6[%swap3A_65, %swap3A_66] {strides = array<i32>} : memref<4x128xi32, #tpu.memory_space<vmem>>, vector<1x16xi32>,
    %swap3A_68 = vector.shape_cast %swap3A_67 : vector<1x16xi32> to vector<16xi32>
    %swap3A_69 = vector.shape_cast %shift_right_logical3A_63 : vector<16xi32> to vector<1x16xi32>
    tpu.vector_store %arg6[%swap3A_65, %swap3A_66], %swap3A_69 {strides = array<i32>} : memref<4x128xi32, #tpu.memory_space<vmem>>, vector<1x16xi32>,
    %get3A_70 = arith.constant 0 : i32
    %get3A_71 = arith.index_cast %get3A_70 : i32 to index
    %get3A_72 = arith.constant 80 : index
    %get3A_73 = tpu.vector_load %arg5[%get3A_71, %get3A_72] {strides = array<i32>} : memref<4x128xi32, #tpu.memory_space<vmem>>, vector<1x16xi32>,
    %get3A_74 = vector.shape_cast %get3A_73 : vector<1x16xi32> to vector<16xi32>
    %shift_right_logical3A_75 = arith.constant 1 : i32
    %shift_right_logical3A_76 = vector.broadcast %shift_right_logical3A_75 : i32 to vector<16xi32>
    %shift_right_logical3A_77 = arith.shrui %get3A_74, %shift_right_logical3A_76 : vector<16xi32>
    %swap3A_78 = arith.constant 0 : i32
    %swap3A_79 = arith.index_cast %swap3A_78 : i32 to index
    %swap3A_80 = arith.constant 80 : index
    %swap3A_81 = tpu.vector_load %arg6[%swap3A_79, %swap3A_80] {strides = array<i32>} : memref<4x128xi32, #tpu.memory_space<vmem>>, vector<1x16xi32>,
    %swap3A_82 = vector.shape_cast %swap3A_81 : vector<1x16xi32> to vector<16xi32>
    %swap3A_83 = vector.shape_cast %shift_right_logical3A_77 : vector<16xi32> to vector<1x16xi32>
    tpu.vector_store %arg6[%swap3A_79, %swap3A_80], %swap3A_83 {strides = array<i32>} : memref<4x128xi32, #tpu.memory_space<vmem>>, vector<1x16xi32>,
    %get3A_84 = arith.constant 0 : i32
    %get3A_85 = arith.index_cast %get3A_84 : i32 to index
    %get3A_86 = arith.constant 96 : index
    %get3A_87 = tpu.vector_load %arg5[%get3A_85, %get3A_86] {strides = array<i32>} : memref<4x128xi32, #tpu.memory_space<vmem>>, vector<1x16xi32>,
    %get3A_88 = vector.shape_cast %get3A_87 : vector<1x16xi32> to vector<16xi32>
    %shift_right_logical3A_89 = arith.constant 1 : i32
    %shift_right_logical3A_90 = vector.broadcast %shift_right_logical3A_89 : i32 to vector<16xi32>
    %shift_right_logical3A_91 = arith.shrui %get3A_88, %shift_right_logical3A_90 : vector<16xi32>
    %swap3A_92 = arith.constant 0 : i32
    %swap3A_93 = arith.index_cast %swap3A_92 : i32 to index
    %swap3A_94 = arith.constant 96 : index
    %swap3A_95 = tpu.vector_load %arg6[%swap3A_93, %swap3A_94] {strides = array<i32>} : memref<4x128xi32, #tpu.memory_space<vmem>>, vector<1x16xi32>,
    %swap3A_96 = vector.shape_cast %swap3A_95 : vector<1x16xi32> to vector<16xi32>
    %swap3A_97 = vector.shape_cast %shift_right_logical3A_91 : vector<16xi32> to vector<1x16xi32>
    tpu.vector_store %arg6[%swap3A_93, %swap3A_94], %swap3A_97 {strides = array<i32>} : memref<4x128xi32, #tpu.memory_space<vmem>>, vector<1x16xi32>,
    %get3A_98 = arith.constant 0 : i32
    %get3A_99 = arith.index_cast %get3A_98 : i32 to index
    %get3A_100 = arith.constant 112 : index
    %get3A_101 = tpu.vector_load %arg5[%get3A_99, %get3A_100] {strides = array<i32>} : memref<4x128xi32, #tpu.memory_space<vmem>>, vector<1x16xi32>,
    %get3A_102 = vector.shape_cast %get3A_101 : vector<1x16xi32> to vector<16xi32>
    %shift_right_logical3A_103 = arith.constant 1 : i32
    %shift_right_logical3A_104 = vector.broadcast %shift_right_logical3A_103 : i32 to vector<16xi32>
    %shift_right_logical3A_105 = arith.shrui %get3A_102, %shift_right_logical3A_104 : vector<16xi32>
    %swap3A_106 = arith.constant 0 : i32
    %swap3A_107 = arith.index_cast %swap3A_106 : i32 to index
    %swap3A_108 = arith.constant 112 : index
    %swap3A_109 = tpu.vector_load %arg6[%swap3A_107, %swap3A_108] {strides = array<i32>} : memref<4x128xi32, #tpu.memory_space<vmem>>, vector<1x16xi32>,
    %swap3A_110 = vector.shape_cast %swap3A_109 : vector<1x16xi32> to vector<16xi32>
    %swap3A_111 = vector.shape_cast %shift_right_logical3A_105 : vector<16xi32> to vector<1x16xi32>
    tpu.vector_store %arg6[%swap3A_107, %swap3A_108], %swap3A_111 {strides = array<i32>} : memref<4x128xi32, #tpu.memory_space<vmem>>, vector<1x16xi32>,
    %get3A_112 = arith.constant 1 : i32
    %get3A_113 = arith.index_cast %get3A_112 : i32 to index
    %get3A_114 = arith.constant 0 : index
    %get3A_115 = tpu.vector_load %arg5[%get3A_113, %get3A_114] {strides = array<i32>} : memref<4x128xi32, #tpu.memory_space<vmem>>, vector<1x16xi32>,
    %get3A_116 = vector.shape_cast %get3A_115 : vector<1x16xi32> to vector<16xi32>
    %shift_right_logical3A_117 = arith.constant 1 : i32
    %shift_right_logical3A_118 = vector.broadcast %shift_right_logical3A_117 : i32 to vector<16xi32>
    %shift_right_logical3A_119 = arith.shrui %get3A_116, %shift_right_logical3A_118 : vector<16xi32>
    %swap3A_120 = arith.constant 1 : i32
    %swap3A_121 = arith.index_cast %swap3A_120 : i32 to index
    %swap3A_122 = arith.constant 0 : index
    %swap3A_123 = tpu.vector_load %arg6[%swap3A_121, %swap3A_122] {strides = array<i32>} : memref<4x128xi32, #tpu.memory_space<vmem>>, vector<1x16xi32>,
    %swap3A_124 = vector.shape_cast %swap3A_123 : vector<1x16xi32> to vector<16xi32>
    %swap3A_125 = vector.shape_cast %shift_right_logical3A_119 : vector<16xi32> to vector<1x16xi32>
    tpu.vector_store %arg6[%swap3A_121, %swap3A_122], %swap3A_125 {strides = array<i32>} : memref<4x128xi32, #tpu.memory_space<vmem>>, vector<1x16xi32>,
    %get3A_126 = arith.constant 1 : i32
    %get3A_127 = arith.index_cast %get3A_126 : i32 to index
    %get3A_128 = arith.constant 16 : index
    %get3A_129 = tpu.vector_load %arg5[%get3A_127, %get3A_128] {strides = array<i32>} : memref<4x128xi32, #tpu.memory_space<vmem>>, vector<1x16xi32>,
    %get3A_130 = vector.shape_cast %get3A_129 : vector<1x16xi32> to vector<16xi32>
    %shift_right_logical3A_131 = arith.constant 1 : i32
    %shift_right_logical3A_132 = vector.broadcast %shift_right_logical3A_131 : i32 to vector<16xi32>
    %shift_right_logical3A_133 = arith.shrui %get3A_130, %shift_right_logical3A_132 : vector<16xi32>
    %swap3A_134 = arith.constant 1 : i32
    %swap3A_135 = arith.index_cast %swap3A_134 : i32 to index
    %swap3A_136 = arith.constant 16 : index
    %swap3A_137 = tpu.vector_load %arg6[%swap3A_135, %swap3A_136] {strides = array<i32>} : memref<4x128xi32, #tpu.memory_space<vmem>>, vector<1x16xi32>,
    %swap3A_138 = vector.shape_cast %swap3A_137 : vector<1x16xi32> to vector<16xi32>
    %swap3A_139 = vector.shape_cast %shift_right_logical3A_133 : vector<16xi32> to vector<1x16xi32>
    tpu.vector_store %arg6[%swap3A_135, %swap3A_136], %swap3A_139 {strides = array<i32>} : memref<4x128xi32, #tpu.memory_space<vmem>>, vector<1x16xi32>,
    %get3A_140 = arith.constant 1 : i32
    %get3A_141 = arith.index_cast %get3A_140 : i32 to index
    %get3A_142 = arith.constant 32 : index
    %get3A_143 = tpu.vector_load %arg5[%get3A_141, %get3A_142] {strides = array<i32>} : memref<4x128xi32, #tpu.memory_space<vmem>>, vector<1x16xi32>,
    %get3A_144 = vector.shape_cast %get3A_143 : vector<1x16xi32> to vector<16xi32>
    %shift_right_logical3A_145 = arith.constant 1 : i32
    %shift_right_logical3A_146 = vector.broadcast %shift_right_logical3A_145 : i32 to vector<16xi32>
    %shift_right_logical3A_147 = arith.shrui %get3A_144, %shift_right_logical3A_146 : vector<16xi32>
    %swap3A_148 = arith.constant 1 : i32
    %swap3A_149 = arith.index_cast %swap3A_148 : i32 to index
    %swap3A_150 = arith.constant 32 : index
    %swap3A_151 = tpu.vector_load %arg6[%swap3A_149, %swap3A_150] {strides = array<i32>} : memref<4x128xi32, #tpu.memory_space<vmem>>, vector<1x16xi32>,
    %swap3A_152 = vector.shape_cast %swap3A_151 : vector<1x16xi32> to vector<16xi32>
    %swap3A_153 = vector.shape_cast %shift_right_logical3A_147 : vector<16xi32> to vector<1x16xi32>
    tpu.vector_store %arg6[%swap3A_149, %swap3A_150], %swap3A_153 {strides = array<i32>} : memref<4x128xi32, #tpu.memory_space<vmem>>, vector<1x16xi32>,
    %get3A_154 = arith.constant 1 : i32
    %get3A_155 = arith.index_cast %get3A_154 : i32 to index
    %get3A_156 = arith.constant 48 : index
    %get3A_157 = tpu.vector_load %arg5[%get3A_155, %get3A_156] {strides = array<i32>} : memref<4x128xi32, #tpu.memory_space<vmem>>, vector<1x16xi32>,
    %get3A_158 = vector.shape_cast %get3A_157 : vector<1x16xi32> to vector<16xi32>
    %shift_right_logical3A_159 = arith.constant 1 : i32
    %shift_right_logical3A_160 = vector.broadcast %shift_right_logical3A_159 : i32 to vector<16xi32>
    %shift_right_logical3A_161 = arith.shrui %get3A_158, %shift_right_logical3A_160 : vector<16xi32>
    %swap3A_162 = arith.constant 1 : i32
    %swap3A_163 = arith.index_cast %swap3A_162 : i32 to index
    %swap3A_164 = arith.constant 48 : index
    %swap3A_165 = tpu.vector_load %arg6[%swap3A_163, %swap3A_164] {strides = array<i32>} : memref<4x128xi32, #tpu.memory_space<vmem>>, vector<1x16xi32>,
    %swap3A_166 = vector.shape_cast %swap3A_165 : vector<1x16xi32> to vector<16xi32>
    %swap3A_167 = vector.shape_cast %shift_right_logical3A_161 : vector<16xi32> to vector<1x16xi32>
    tpu.vector_store %arg6[%swap3A_163, %swap3A_164], %swap3A_167 {strides = array<i32>} : memref<4x128xi32, #tpu.memory_space<vmem>>, vector<1x16xi32>,
    %get3A_168 = arith.constant 1 : i32
    %get3A_169 = arith.index_cast %get3A_168 : i32 to index
    %get3A_170 = arith.constant 64 : index
    %get3A_171 = tpu.vector_load %arg5[%get3A_169, %get3A_170] {strides = array<i32>} : memref<4x128xi32, #tpu.memory_space<vmem>>, vector<1x16xi32>,
    %get3A_172 = vector.shape_cast %get3A_171 : vector<1x16xi32> to vector<16xi32>
    %shift_right_logical3A_173 = arith.constant 1 : i32
    %shift_right_logical3A_174 = vector.broadcast %shift_right_logical3A_173 : i32 to vector<16xi32>
    %shift_right_logical3A_175 = arith.shrui %get3A_172, %shift_right_logical3A_174 : vector<16xi32>
    %swap3A_176 = arith.constant 1 : i32
    %swap3A_177 = arith.index_cast %swap3A_176 : i32 to index
    %swap3A_178 = arith.constant 64 : index
    %swap3A_179 = tpu.vector_load %arg6[%swap3A_177, %swap3A_178] {strides = array<i32>} : memref<4x128xi32, #tpu.memory_space<vmem>>, vector<1x16xi32>,
    %swap3A_180 = vector.shape_cast %swap3A_179 : vector<1x16xi32> to vector<16xi32>
    %swap3A_181 = vector.shape_cast %shift_right_logical3A_175 : vector<16xi32> to vector<1x16xi32>
    tpu.vector_store %arg6[%swap3A_177, %swap3A_178], %swap3A_181 {strides = array<i32>} : memref<4x128xi32, #tpu.memory_space<vmem>>, vector<1x16xi32>,
    %get3A_182 = arith.constant 1 : i32
    %get3A_183 = arith.index_cast %get3A_182 : i32 to index
    %get3A_184 = arith.constant 80 : index
    %get3A_185 = tpu.vector_load %arg5[%get3A_183, %get3A_184] {strides = array<i32>} : memref<4x128xi32, #tpu.memory_space<vmem>>, vector<1x16xi32>,
    %get3A_186 = vector.shape_cast %get3A_185 : vector<1x16xi32> to vector<16xi32>
    %shift_right_logical3A_187 = arith.constant 1 : i32
    %shift_right_logical3A_188 = vector.broadcast %shift_right_logical3A_187 : i32 to vector<16xi32>
    %shift_right_logical3A_189 = arith.shrui %get3A_186, %shift_right_logical3A_188 : vector<16xi32>
    %swap3A_190 = arith.constant 1 : i32
    %swap3A_191 = arith.index_cast %swap3A_190 : i32 to index
    %swap3A_192 = arith.constant 80 : index
    %swap3A_193 = tpu.vector_load %arg6[%swap3A_191, %swap3A_192] {strides = array<i32>} : memref<4x128xi32, #tpu.memory_space<vmem>>, vector<1x16xi32>,
    %swap3A_194 = vector.shape_cast %swap3A_193 : vector<1x16xi32> to vector<16xi32>
    %swap3A_195 = vector.shape_cast %shift_right_logical3A_189 : vector<16xi32> to vector<1x16xi32>
    tpu.vector_store %arg6[%swap3A_191, %swap3A_192], %swap3A_195 {strides = array<i32>} : memref<4x128xi32, #tpu.memory_space<vmem>>, vector<1x16xi32>,
    %get3A_196 = arith.constant 1 : i32
    %get3A_197 = arith.index_cast %get3A_196 : i32 to index
    %get3A_198 = arith.constant 96 : index
    %get3A_199 = tpu.vector_load %arg5[%get3A_197, %get3A_198] {strides = array<i32>} : memref<4x128xi32, #tpu.memory_space<vmem>>, vector<1x16xi32>,
    %get3A_200 = vector.shape_cast %get3A_199 : vector<1x16xi32> to vector<16xi32>
    %shift_right_logical3A_201 = arith.constant 1 : i32
    %shift_right_logical3A_202 = vector.broadcast %shift_right_logical3A_201 : i32 to vector<16xi32>
    %shift_right_logical3A_203 = arith.shrui %get3A_200, %shift_right_logical3A_202 : vector<16xi32>
    %swap3A_204 = arith.constant 1 : i32
    %swap3A_205 = arith.index_cast %swap3A_204 : i32 to index
    %swap3A_206 = arith.constant 96 : index
    %swap3A_207 = tpu.vector_load %arg6[%swap3A_205, %swap3A_206] {strides = array<i32>} : memref<4x128xi32, #tpu.memory_space<vmem>>, vector<1x16xi32>,
    %swap3A_208 = vector.shape_cast %swap3A_207 : vector<1x16xi32> to vector<16xi32>
    %swap3A_209 = vector.shape_cast %shift_right_logical3A_203 : vector<16xi32> to vector<1x16xi32>
    tpu.vector_store %arg6[%swap3A_205, %swap3A_206], %swap3A_209 {strides = array<i32>} : memref<4x128xi32, #tpu.memory_space<vmem>>, vector<1x16xi32>,
    %get3A_210 = arith.constant 1 : i32
    %get3A_211 = arith.index_cast %get3A_210 : i32 to index
    %get3A_212 = arith.constant 112 : index
    %get3A_213 = tpu.vector_load %arg5[%get3A_211, %get3A_212] {strides = array<i32>} : memref<4x128xi32, #tpu.memory_space<vmem>>, vector<1x16xi32>,
    %get3A_214 = vector.shape_cast %get3A_213 : vector<1x16xi32> to vector<16xi32>
    %shift_right_logical3A_215 = arith.constant 1 : i32
    %shift_right_logical3A_216 = vector.broadcast %shift_right_logical3A_215 : i32 to vector<16xi32>
    %shift_right_logical3A_217 = arith.shrui %get3A_214, %shift_right_logical3A_216 : vector<16xi32>
    %swap3A_218 = arith.constant 1 : i32
    %swap3A_219 = arith.index_cast %swap3A_218 : i32 to index
    %swap3A_220 = arith.constant 112 : index
    %swap3A_221 = tpu.vector_load %arg6[%swap3A_219, %swap3A_220] {strides = array<i32>} : memref<4x128xi32, #tpu.memory_space<vmem>>, vector<1x16xi32>,
    %swap3A_222 = vector.shape_cast %swap3A_221 : vector<1x16xi32> to vector<16xi32>
    %swap3A_223 = vector.shape_cast %shift_right_logical3A_217 : vector<16xi32> to vector<1x16xi32>
    tpu.vector_store %arg6[%swap3A_219, %swap3A_220], %swap3A_223 {strides = array<i32>} : memref<4x128xi32, #tpu.memory_space<vmem>>, vector<1x16xi32>,
    %get3A_224 = arith.constant 2 : i32
    %get3A_225 = arith.index_cast %get3A_224 : i32 to index
    %get3A_226 = arith.constant 0 : index
    %get3A_227 = tpu.vector_load %arg5[%get3A_225, %get3A_226] {strides = array<i32>} : memref<4x128xi32, #tpu.memory_space<vmem>>, vector<1x16xi32>,
    %get3A_228 = vector.shape_cast %get3A_227 : vector<1x16xi32> to vector<16xi32>
    %shift_right_logical3A_229 = arith.constant 1 : i32
    %shift_right_logical3A_230 = vector.broadcast %shift_right_logical3A_229 : i32 to vector<16xi32>
    %shift_right_logical3A_231 = arith.shrui %get3A_228, %shift_right_logical3A_230 : vector<16xi32>
    %swap3A_232 = arith.constant 2 : i32
    %swap3A_233 = arith.index_cast %swap3A_232 : i32 to index
    %swap3A_234 = arith.constant 0 : index
    %swap3A_235 = tpu.vector_load %arg6[%swap3A_233, %swap3A_234] {strides = array<i32>} : memref<4x128xi32, #tpu.memory_space<vmem>>, vector<1x16xi32>,
    %swap3A_236 = vector.shape_cast %swap3A_235 : vector<1x16xi32> to vector<16xi32>
    %swap3A_237 = vector.shape_cast %shift_right_logical3A_231 : vector<16xi32> to vector<1x16xi32>
    tpu.vector_store %arg6[%swap3A_233, %swap3A_234], %swap3A_237 {strides = array<i32>} : memref<4x128xi32, #tpu.memory_space<vmem>>, vector<1x16xi32>,
    %get3A_238 = arith.constant 2 : i32
    %get3A_239 = arith.index_cast %get3A_238 : i32 to index
    %get3A_240 = arith.constant 16 : index
    %get3A_241 = tpu.vector_load %arg5[%get3A_239, %get3A_240] {strides = array<i32>} : memref<4x128xi32, #tpu.memory_space<vmem>>, vector<1x16xi32>,
    %get3A_242 = vector.shape_cast %get3A_241 : vector<1x16xi32> to vector<16xi32>
    %shift_right_logical3A_243 = arith.constant 1 : i32
    %shift_right_logical3A_244 = vector.broadcast %shift_right_logical3A_243 : i32 to vector<16xi32>
    %shift_right_logical3A_245 = arith.shrui %get3A_242, %shift_right_logical3A_244 : vector<16xi32>
    %swap3A_246 = arith.constant 2 : i32
    %swap3A_247 = arith.index_cast %swap3A_246 : i32 to index
    %swap3A_248 = arith.constant 16 : index
    %swap3A_249 = tpu.vector_load %arg6[%swap3A_247, %swap3A_248] {strides = array<i32>} : memref<4x128xi32, #tpu.memory_space<vmem>>, vector<1x16xi32>,
    %swap3A_250 = vector.shape_cast %swap3A_249 : vector<1x16xi32> to vector<16xi32>
    %swap3A_251 = vector.shape_cast %shift_right_logical3A_245 : vector<16xi32> to vector<1x16xi32>
    tpu.vector_store %arg6[%swap3A_247, %swap3A_248], %swap3A_251 {strides = array<i32>} : memref<4x128xi32, #tpu.memory_space<vmem>>, vector<1x16xi32>,
    %get3A_252 = arith.constant 2 : i32
    %get3A_253 = arith.index_cast %get3A_252 : i32 to index
    %get3A_254 = arith.constant 32 : index
    %get3A_255 = tpu.vector_load %arg5[%get3A_253, %get3A_254] {strides = array<i32>} : memref<4x128xi32, #tpu.memory_space<vmem>>, vector<1x16xi32>,
    %get3A_256 = vector.shape_cast %get3A_255 : vector<1x16xi32> to vector<16xi32>
    %shift_right_logical3A_257 = arith.constant 1 : i32
    %shift_right_logical3A_258 = vector.broadcast %shift_right_logical3A_257 : i32 to vector<16xi32>
    %shift_right_logical3A_259 = arith.shrui %get3A_256, %shift_right_logical3A_258 : vector<16xi32>
    %swap3A_260 = arith.constant 2 : i32
    %swap3A_261 = arith.index_cast %swap3A_260 : i32 to index
    %swap3A_262 = arith.constant 32 : index
    %swap3A_263 = tpu.vector_load %arg6[%swap3A_261, %swap3A_262] {strides = array<i32>} : memref<4x128xi32, #tpu.memory_space<vmem>>, vector<1x16xi32>,
    %swap3A_264 = vector.shape_cast %swap3A_263 : vector<1x16xi32> to vector<16xi32>
    %swap3A_265 = vector.shape_cast %shift_right_logical3A_259 : vector<16xi32> to vector<1x16xi32>
    tpu.vector_store %arg6[%swap3A_261, %swap3A_262], %swap3A_265 {strides = array<i32>} : memref<4x128xi32, #tpu.memory_space<vmem>>, vector<1x16xi32>,
    %get3A_266 = arith.constant 2 : i32
    %get3A_267 = arith.index_cast %get3A_266 : i32 to index
    %get3A_268 = arith.constant 48 : index
    %get3A_269 = tpu.vector_load %arg5[%get3A_267, %get3A_268] {strides = array<i32>} : memref<4x128xi32, #tpu.memory_space<vmem>>, vector<1x16xi32>,
    %get3A_270 = vector.shape_cast %get3A_269 : vector<1x16xi32> to vector<16xi32>
    %shift_right_logical3A_271 = arith.constant 1 : i32
    %shift_right_logical3A_272 = vector.broadcast %shift_right_logical3A_271 : i32 to vector<16xi32>
    %shift_right_logical3A_273 = arith.shrui %get3A_270, %shift_right_logical3A_272 : vector<16xi32>
    %swap3A_274 = arith.constant 2 : i32
    %swap3A_275 = arith.index_cast %swap3A_274 : i32 to index
    %swap3A_276 = arith.constant 48 : index
    %swap3A_277 = tpu.vector_load %arg6[%swap3A_275, %swap3A_276] {strides = array<i32>} : memref<4x128xi32, #tpu.memory_space<vmem>>, vector<1x16xi32>,
    %swap3A_278 = vector.shape_cast %swap3A_277 : vector<1x16xi32> to vector<16xi32>
    %swap3A_279 = vector.shape_cast %shift_right_logical3A_273 : vector<16xi32> to vector<1x16xi32>
    tpu.vector_store %arg6[%swap3A_275, %swap3A_276], %swap3A_279 {strides = array<i32>} : memref<4x128xi32, #tpu.memory_space<vmem>>, vector<1x16xi32>,
    %get3A_280 = arith.constant 2 : i32
    %get3A_281 = arith.index_cast %get3A_280 : i32 to index
    %get3A_282 = arith.constant 64 : index
    %get3A_283 = tpu.vector_load %arg5[%get3A_281, %get3A_282] {strides = array<i32>} : memref<4x128xi32, #tpu.memory_space<vmem>>, vector<1x16xi32>,
    %get3A_284 = vector.shape_cast %get3A_283 : vector<1x16xi32> to vector<16xi32>
    %shift_right_logical3A_285 = arith.constant 1 : i32
    %shift_right_logical3A_286 = vector.broadcast %shift_right_logical3A_285 : i32 to vector<16xi32>
    %shift_right_logical3A_287 = arith.shrui %get3A_284, %shift_right_logical3A_286 : vector<16xi32>
    %swap3A_288 = arith.constant 2 : i32
    %swap3A_289 = arith.index_cast %swap3A_288 : i32 to index
    %swap3A_290 = arith.constant 64 : index
    %swap3A_291 = tpu.vector_load %arg6[%swap3A_289, %swap3A_290] {strides = array<i32>} : memref<4x128xi32, #tpu.memory_space<vmem>>, vector<1x16xi32>,
    %swap3A_292 = vector.shape_cast %swap3A_291 : vector<1x16xi32> to vector<16xi32>
    %swap3A_293 = vector.shape_cast %shift_right_logical3A_287 : vector<16xi32> to vector<1x16xi32>
    tpu.vector_store %arg6[%swap3A_289, %swap3A_290], %swap3A_293 {strides = array<i32>} : memref<4x128xi32, #tpu.memory_space<vmem>>, vector<1x16xi32>,
    %get3A_294 = arith.constant 2 : i32
    %get3A_295 = arith.index_cast %get3A_294 : i32 to index
    %get3A_296 = arith.constant 80 : index
    %get3A_297 = tpu.vector_load %arg5[%get3A_295, %get3A_296] {strides = array<i32>} : memref<4x128xi32, #tpu.memory_space<vmem>>, vector<1x16xi32>,
    %get3A_298 = vector.shape_cast %get3A_297 : vector<1x16xi32> to vector<16xi32>
    %shift_right_logical3A_299 = arith.constant 1 : i32
    %shift_right_logical3A_300 = vector.broadcast %shift_right_logical3A_299 : i32 to vector<16xi32>
    %shift_right_logical3A_301 = arith.shrui %get3A_298, %shift_right_logical3A_300 : vector<16xi32>
    %swap3A_302 = arith.constant 2 : i32
    %swap3A_303 = arith.index_cast %swap3A_302 : i32 to index
    %swap3A_304 = arith.constant 80 : index
    %swap3A_305 = tpu.vector_load %arg6[%swap3A_303, %swap3A_304] {strides = array<i32>} : memref<4x128xi32, #tpu.memory_space<vmem>>, vector<1x16xi32>,
    %swap3A_306 = vector.shape_cast %swap3A_305 : vector<1x16xi32> to vector<16xi32>
    %swap3A_307 = vector.shape_cast %shift_right_logical3A_301 : vector<16xi32> to vector<1x16xi32>
    tpu.vector_store %arg6[%swap3A_303, %swap3A_304], %swap3A_307 {strides = array<i32>} : memref<4x128xi32, #tpu.memory_space<vmem>>, vector<1x16xi32>,
    %get3A_308 = arith.constant 2 : i32
    %get3A_309 = arith.index_cast %get3A_308 : i32 to index
    %get3A_310 = arith.constant 96 : index
    %get3A_311 = tpu.vector_load %arg5[%get3A_309, %get3A_310] {strides = array<i32>} : memref<4x128xi32, #tpu.memory_space<vmem>>, vector<1x16xi32>,
    %get3A_312 = vector.shape_cast %get3A_311 : vector<1x16xi32> to vector<16xi32>
    %shift_right_logical3A_313 = arith.constant 1 : i32
    %shift_right_logical3A_314 = vector.broadcast %shift_right_logical3A_313 : i32 to vector<16xi32>
    %shift_right_logical3A_315 = arith.shrui %get3A_312, %shift_right_logical3A_314 : vector<16xi32>
    %swap3A_316 = arith.constant 2 : i32
    %swap3A_317 = arith.index_cast %swap3A_316 : i32 to index
    %swap3A_318 = arith.constant 96 : index
    %swap3A_319 = tpu.vector_load %arg6[%swap3A_317, %swap3A_318] {strides = array<i32>} : memref<4x128xi32, #tpu.memory_space<vmem>>, vector<1x16xi32>,
    %swap3A_320 = vector.shape_cast %swap3A_319 : vector<1x16xi32> to vector<16xi32>
    %swap3A_321 = vector.shape_cast %shift_right_logical3A_315 : vector<16xi32> to vector<1x16xi32>
    tpu.vector_store %arg6[%swap3A_317, %swap3A_318], %swap3A_321 {strides = array<i32>} : memref<4x128xi32, #tpu.memory_space<vmem>>, vector<1x16xi32>,
    %get3A_322 = arith.constant 2 : i32
    %get3A_323 = arith.index_cast %get3A_322 : i32 to index
    %get3A_324 = arith.constant 112 : index
    %get3A_325 = tpu.vector_load %arg5[%get3A_323, %get3A_324] {strides = array<i32>} : memref<4x128xi32, #tpu.memory_space<vmem>>, vector<1x16xi32>,
    %get3A_326 = vector.shape_cast %get3A_325 : vector<1x16xi32> to vector<16xi32>
    %shift_right_logical3A_327 = arith.constant 1 : i32
    %shift_right_logical3A_328 = vector.broadcast %shift_right_logical3A_327 : i32 to vector<16xi32>
    %shift_right_logical3A_329 = arith.shrui %get3A_326, %shift_right_logical3A_328 : vector<16xi32>
    %swap3A_330 = arith.constant 2 : i32
    %swap3A_331 = arith.index_cast %swap3A_330 : i32 to index
    %swap3A_332 = arith.constant 112 : index
    %swap3A_333 = tpu.vector_load %arg6[%swap3A_331, %swap3A_332] {strides = array<i32>} : memref<4x128xi32, #tpu.memory_space<vmem>>, vector<1x16xi32>,
    %swap3A_334 = vector.shape_cast %swap3A_333 : vector<1x16xi32> to vector<16xi32>
    %swap3A_335 = vector.shape_cast %shift_right_logical3A_329 : vector<16xi32> to vector<1x16xi32>
    tpu.vector_store %arg6[%swap3A_331, %swap3A_332], %swap3A_335 {strides = array<i32>} : memref<4x128xi32, #tpu.memory_space<vmem>>, vector<1x16xi32>,
    %get3A_336 = arith.constant 3 : i32
    %get3A_337 = arith.index_cast %get3A_336 : i32 to index
    %get3A_338 = arith.constant 0 : index
    %get3A_339 = tpu.vector_load %arg5[%get3A_337, %get3A_338] {strides = array<i32>} : memref<4x128xi32, #tpu.memory_space<vmem>>, vector<1x16xi32>,
    %get3A_340 = vector.shape_cast %get3A_339 : vector<1x16xi32> to vector<16xi32>
    %shift_right_logical3A_341 = arith.constant 1 : i32
    %shift_right_logical3A_342 = vector.broadcast %shift_right_logical3A_341 : i32 to vector<16xi32>
    %shift_right_logical3A_343 = arith.shrui %get3A_340, %shift_right_logical3A_342 : vector<16xi32>
    %swap3A_344 = arith.constant 3 : i32
    %swap3A_345 = arith.index_cast %swap3A_344 : i32 to index
    %swap3A_346 = arith.constant 0 : index
    %swap3A_347 = tpu.vector_load %arg6[%swap3A_345, %swap3A_346] {strides = array<i32>} : memref<4x128xi32, #tpu.memory_space<vmem>>, vector<1x16xi32>,
    %swap3A_348 = vector.shape_cast %swap3A_347 : vector<1x16xi32> to vector<16xi32>
    %swap3A_349 = vector.shape_cast %shift_right_logical3A_343 : vector<16xi32> to vector<1x16xi32>
    tpu.vector_store %arg6[%swap3A_345, %swap3A_346], %swap3A_349 {strides = array<i32>} : memref<4x128xi32, #tpu.memory_space<vmem>>, vector<1x16xi32>,
    %get3A_350 = arith.constant 3 : i32
    %get3A_351 = arith.index_cast %get3A_350 : i32 to index
    %get3A_352 = arith.constant 16 : index
    %get3A_353 = tpu.vector_load %arg5[%get3A_351, %get3A_352] {strides = array<i32>} : memref<4x128xi32, #tpu.memory_space<vmem>>, vector<1x16xi32>,
    %get3A_354 = vector.shape_cast %get3A_353 : vector<1x16xi32> to vector<16xi32>
    %shift_right_logical3A_355 = arith.constant 1 : i32
    %shift_right_logical3A_356 = vector.broadcast %shift_right_logical3A_355 : i32 to vector<16xi32>
    %shift_right_logical3A_357 = arith.shrui %get3A_354, %shift_right_logical3A_356 : vector<16xi32>
    %swap3A_358 = arith.constant 3 : i32
    %swap3A_359 = arith.index_cast %swap3A_358 : i32 to index
    %swap3A_360 = arith.constant 16 : index
    %swap3A_361 = tpu.vector_load %arg6[%swap3A_359, %swap3A_360] {strides = array<i32>} : memref<4x128xi32, #tpu.memory_space<vmem>>, vector<1x16xi32>,
    %swap3A_362 = vector.shape_cast %swap3A_361 : vector<1x16xi32> to vector<16xi32>
    %swap3A_363 = vector.shape_cast %shift_right_logical3A_357 : vector<16xi32> to vector<1x16xi32>
    tpu.vector_store %arg6[%swap3A_359, %swap3A_360], %swap3A_363 {strides = array<i32>} : memref<4x128xi32, #tpu.memory_space<vmem>>, vector<1x16xi32>,
    %get3A_364 = arith.constant 3 : i32
    %get3A_365 = arith.index_cast %get3A_364 : i32 to index
    %get3A_366 = arith.constant 32 : index
    %get3A_367 = tpu.vector_load %arg5[%get3A_365, %get3A_366] {strides = array<i32>} : memref<4x128xi32, #tpu.memory_space<vmem>>, vector<1x16xi32>,
    %get3A_368 = vector.shape_cast %get3A_367 : vector<1x16xi32> to vector<16xi32>
    %shift_right_logical3A_369 = arith.constant 1 : i32
    %shift_right_logical3A_370 = vector.broadcast %shift_right_logical3A_369 : i32 to vector<16xi32>
    %shift_right_logical3A_371 = arith.shrui %get3A_368, %shift_right_logical3A_370 : vector<16xi32>
    %swap3A_372 = arith.constant 3 : i32
    %swap3A_373 = arith.index_cast %swap3A_372 : i32 to index
    %swap3A_374 = arith.constant 32 : index
    %swap3A_375 = tpu.vector_load %arg6[%swap3A_373, %swap3A_374] {strides = array<i32>} : memref<4x128xi32, #tpu.memory_space<vmem>>, vector<1x16xi32>,
    %swap3A_376 = vector.shape_cast %swap3A_375 : vector<1x16xi32> to vector<16xi32>
    %swap3A_377 = vector.shape_cast %shift_right_logical3A_371 : vector<16xi32> to vector<1x16xi32>
    tpu.vector_store %arg6[%swap3A_373, %swap3A_374], %swap3A_377 {strides = array<i32>} : memref<4x128xi32, #tpu.memory_space<vmem>>, vector<1x16xi32>,
    %get3A_378 = arith.constant 3 : i32
    %get3A_379 = arith.index_cast %get3A_378 : i32 to index
    %get3A_380 = arith.constant 48 : index
    %get3A_381 = tpu.vector_load %arg5[%get3A_379, %get3A_380] {strides = array<i32>} : memref<4x128xi32, #tpu.memory_space<vmem>>, vector<1x16xi32>,
    %get3A_382 = vector.shape_cast %get3A_381 : vector<1x16xi32> to vector<16xi32>
    %shift_right_logical3A_383 = arith.constant 1 : i32
    %shift_right_logical3A_384 = vector.broadcast %shift_right_logical3A_383 : i32 to vector<16xi32>
    %shift_right_logical3A_385 = arith.shrui %get3A_382, %shift_right_logical3A_384 : vector<16xi32>
    %swap3A_386 = arith.constant 3 : i32
    %swap3A_387 = arith.index_cast %swap3A_386 : i32 to index
    %swap3A_388 = arith.constant 48 : index
    %swap3A_389 = tpu.vector_load %arg6[%swap3A_387, %swap3A_388] {strides = array<i32>} : memref<4x128xi32, #tpu.memory_space<vmem>>, vector<1x16xi32>,
    %swap3A_390 = vector.shape_cast %swap3A_389 : vector<1x16xi32> to vector<16xi32>
    %swap3A_391 = vector.shape_cast %shift_right_logical3A_385 : vector<16xi32> to vector<1x16xi32>
    tpu.vector_store %arg6[%swap3A_387, %swap3A_388], %swap3A_391 {strides = array<i32>} : memref<4x128xi32, #tpu.memory_space<vmem>>, vector<1x16xi32>,
    %get3A_392 = arith.constant 3 : i32
    %get3A_393 = arith.index_cast %get3A_392 : i32 to index
    %get3A_394 = arith.constant 64 : index
    %get3A_395 = tpu.vector_load %arg5[%get3A_393, %get3A_394] {strides = array<i32>} : memref<4x128xi32, #tpu.memory_space<vmem>>, vector<1x16xi32>,
    %get3A_396 = vector.shape_cast %get3A_395 : vector<1x16xi32> to vector<16xi32>
    %shift_right_logical3A_397 = arith.constant 1 : i32
    %shift_right_logical3A_398 = vector.broadcast %shift_right_logical3A_397 : i32 to vector<16xi32>
    %shift_right_logical3A_399 = arith.shrui %get3A_396, %shift_right_logical3A_398 : vector<16xi32>
    %swap3A_400 = arith.constant 3 : i32
    %swap3A_401 = arith.index_cast %swap3A_400 : i32 to index
    %swap3A_402 = arith.constant 64 : index
    %swap3A_403 = tpu.vector_load %arg6[%swap3A_401, %swap3A_402] {strides = array<i32>} : memref<4x128xi32, #tpu.memory_space<vmem>>, vector<1x16xi32>,
    %swap3A_404 = vector.shape_cast %swap3A_403 : vector<1x16xi32> to vector<16xi32>
    %swap3A_405 = vector.shape_cast %shift_right_logical3A_399 : vector<16xi32> to vector<1x16xi32>
    tpu.vector_store %arg6[%swap3A_401, %swap3A_402], %swap3A_405 {strides = array<i32>} : memref<4x128xi32, #tpu.memory_space<vmem>>, vector<1x16xi32>,
    %get3A_406 = arith.constant 3 : i32
    %get3A_407 = arith.index_cast %get3A_406 : i32 to index
    %get3A_408 = arith.constant 80 : index
    %get3A_409 = tpu.vector_load %arg5[%get3A_407, %get3A_408] {strides = array<i32>} : memref<4x128xi32, #tpu.memory_space<vmem>>, vector<1x16xi32>,
    %get3A_410 = vector.shape_cast %get3A_409 : vector<1x16xi32> to vector<16xi32>
    %shift_right_logical3A_411 = arith.constant 1 : i32
    %shift_right_logical3A_412 = vector.broadcast %shift_right_logical3A_411 : i32 to vector<16xi32>
    %shift_right_logical3A_413 = arith.shrui %get3A_410, %shift_right_logical3A_412 : vector<16xi32>
    %swap3A_414 = arith.constant 3 : i32
    %swap3A_415 = arith.index_cast %swap3A_414 : i32 to index
    %swap3A_416 = arith.constant 80 : index
    %swap3A_417 = tpu.vector_load %arg6[%swap3A_415, %swap3A_416] {strides = array<i32>} : memref<4x128xi32, #tpu.memory_space<vmem>>, vector<1x16xi32>,
    %swap3A_418 = vector.shape_cast %swap3A_417 : vector<1x16xi32> to vector<16xi32>
    %swap3A_419 = vector.shape_cast %shift_right_logical3A_413 : vector<16xi32> to vector<1x16xi32>
    tpu.vector_store %arg6[%swap3A_415, %swap3A_416], %swap3A_419 {strides = array<i32>} : memref<4x128xi32, #tpu.memory_space<vmem>>, vector<1x16xi32>,
    %get3A_420 = arith.constant 3 : i32
    %get3A_421 = arith.index_cast %get3A_420 : i32 to index
    %get3A_422 = arith.constant 96 : index
    %get3A_423 = tpu.vector_load %arg5[%get3A_421, %get3A_422] {strides = array<i32>} : memref<4x128xi32, #tpu.memory_space<vmem>>, vector<1x16xi32>,
    %get3A_424 = vector.shape_cast %get3A_423 : vector<1x16xi32> to vector<16xi32>
    %shift_right_logical3A_425 = arith.constant 1 : i32
    %shift_right_logical3A_426 = vector.broadcast %shift_right_logical3A_425 : i32 to vector<16xi32>
    %shift_right_logical3A_427 = arith.shrui %get3A_424, %shift_right_logical3A_426 : vector<16xi32>
    %swap3A_428 = arith.constant 3 : i32
    %swap3A_429 = arith.index_cast %swap3A_428 : i32 to index
    %swap3A_430 = arith.constant 96 : index
    %swap3A_431 = tpu.vector_load %arg6[%swap3A_429, %swap3A_430] {strides = array<i32>} : memref<4x128xi32, #tpu.memory_space<vmem>>, vector<1x16xi32>,
    %swap3A_432 = vector.shape_cast %swap3A_431 : vector<1x16xi32> to vector<16xi32>
    %swap3A_433 = vector.shape_cast %shift_right_logical3A_427 : vector<16xi32> to vector<1x16xi32>
    tpu.vector_store %arg6[%swap3A_429, %swap3A_430], %swap3A_433 {strides = array<i32>} : memref<4x128xi32, #tpu.memory_space<vmem>>, vector<1x16xi32>,
    %get3A_434 = arith.constant 3 : i32
    %get3A_435 = arith.index_cast %get3A_434 : i32 to index
    %get3A_436 = arith.constant 112 : index
    %get3A_437 = tpu.vector_load %arg5[%get3A_435, %get3A_436] {strides = array<i32>} : memref<4x128xi32, #tpu.memory_space<vmem>>, vector<1x16xi32>,
    %get3A_438 = vector.shape_cast %get3A_437 : vector<1x16xi32> to vector<16xi32>
    %shift_right_logical3A_439 = arith.constant 1 : i32
    %shift_right_logical3A_440 = vector.broadcast %shift_right_logical3A_439 : i32 to vector<16xi32>
    %shift_right_logical3A_441 = arith.shrui %get3A_438, %shift_right_logical3A_440 : vector<16xi32>
    %swap3A_442 = arith.constant 3 : i32
    %swap3A_443 = arith.index_cast %swap3A_442 : i32 to index
    %swap3A_444 = arith.constant 112 : index
    %swap3A_445 = tpu.vector_load %arg6[%swap3A_443, %swap3A_444] {strides = array<i32>} : memref<4x128xi32, #tpu.memory_space<vmem>>, vector<1x16xi32>,
    %swap3A_446 = vector.shape_cast %swap3A_445 : vector<1x16xi32> to vector<16xi32>
    %swap3A_447 = vector.shape_cast %shift_right_logical3A_441 : vector<16xi32> to vector<1x16xi32>
    tpu.vector_store %arg6[%swap3A_443, %swap3A_444], %swap3A_447 {strides = array<i32>} : memref<4x128xi32, #tpu.memory_space<vmem>>, vector<1x16xi32>,
    %dma_start3A = arith.constant 0 : i32
    %dma_start3A_448 = arith.constant 0 : i32
    %dma_start3A_449 = arith.constant 0 : i32
    %dma_start3A_450 = arith.constant 0 : i32
    %dma_start3A_451 = tpu.memref_slice %arg7[%dma_start3A_448, %dma_start3A_449, %dma_start3A_450] : memref<4x128x128xf32, #tpu.memory_space<vmem>> -> memref<1x128x128xf32, #tpu.memory_space<vmem>>
    %dma_start3A_452 = tpu.memref_squeeze %dma_start3A_451 : memref<1x128x128xf32, #tpu.memory_space<vmem>> -> memref<128x128xf32, #tpu.memory_space<vmem>>
    %dma_start3A_453 = arith.constant 0 : i32
    %dma_start3A_454 = tpu.memref_slice %arg6[%dma_start3A, %dma_start3A_453] : memref<4x128xi32, #tpu.memory_space<vmem>> -> memref<1x128xi32, #tpu.memory_space<vmem>>
    %dma_start3A_455 = tpu.memref_squeeze %dma_start3A_454 : memref<1x128xi32, #tpu.memory_space<vmem>> -> memref<128xi32, #tpu.memory_space<vmem>>
    %dma_start3A_456 = arith.constant 0 : i32
    %dma_start3A_457 = arith.constant 0 : i32
    %dma_start3A_458 = tpu.memref_slice %arg3[%dma_start3A_456, %dma_start3A_457] : memref<500000x128xf32, #tpu.memory_space<hbm>> -> memref<500000x128xf32, #tpu.memory_space<hbm>>
    tpu.enqueue_indirect_dma source(%dma_start3A_458 : memref<500000x128xf32, #tpu.memory_space<hbm>>) target(%dma_start3A_452 : memref<128x128xf32, #tpu.memory_space<vmem>>) offsets(%dma_start3A_455 : memref<128xi32, #tpu.memory_space<vmem>>) semaphore(%arg8 : memref<!tpu.dma_semaphore, #tpu.memory_space<semaphore_mem>>)
    %dma_start3A_459 = arith.constant 1 : i32
    %dma_start3A_460 = arith.constant 1 : i32
    %dma_start3A_461 = arith.constant 0 : i32
    %dma_start3A_462 = arith.constant 0 : i32
    %dma_start3A_463 = tpu.memref_slice %arg7[%dma_start3A_460, %dma_start3A_461, %dma_start3A_462] : memref<4x128x128xf32, #tpu.memory_space<vmem>> -> memref<1x128x128xf32, #tpu.memory_space<vmem>>
    %dma_start3A_464 = tpu.memref_squeeze %dma_start3A_463 : memref<1x128x128xf32, #tpu.memory_space<vmem>> -> memref<128x128xf32, #tpu.memory_space<vmem>>
    %dma_start3A_465 = arith.constant 0 : i32
    %dma_start3A_466 = tpu.memref_slice %arg6[%dma_start3A_459, %dma_start3A_465] : memref<4x128xi32, #tpu.memory_space<vmem>> -> memref<1x128xi32, #tpu.memory_space<vmem>>
    %dma_start3A_467 = tpu.memref_squeeze %dma_start3A_466 : memref<1x128xi32, #tpu.memory_space<vmem>> -> memref<128xi32, #tpu.memory_space<vmem>>
    %dma_start3A_468 = arith.constant 0 : i32
    %dma_start3A_469 = arith.constant 0 : i32
    %dma_start3A_470 = tpu.memref_slice %arg3[%dma_start3A_468, %dma_start3A_469] : memref<500000x128xf32, #tpu.memory_space<hbm>> -> memref<500000x128xf32, #tpu.memory_space<hbm>>
    tpu.enqueue_indirect_dma source(%dma_start3A_470 : memref<500000x128xf32, #tpu.memory_space<hbm>>) target(%dma_start3A_464 : memref<128x128xf32, #tpu.memory_space<vmem>>) offsets(%dma_start3A_467 : memref<128xi32, #tpu.memory_space<vmem>>) semaphore(%arg8 : memref<!tpu.dma_semaphore, #tpu.memory_space<semaphore_mem>>)
    %dma_start3A_471 = arith.constant 2 : i32
    %dma_start3A_472 = arith.constant 2 : i32
    %dma_start3A_473 = arith.constant 0 : i32
    %dma_start3A_474 = arith.constant 0 : i32
    %dma_start3A_475 = tpu.memref_slice %arg7[%dma_start3A_472, %dma_start3A_473, %dma_start3A_474] : memref<4x128x128xf32, #tpu.memory_space<vmem>> -> memref<1x128x128xf32, #tpu.memory_space<vmem>>
    %dma_start3A_476 = tpu.memref_squeeze %dma_start3A_475 : memref<1x128x128xf32, #tpu.memory_space<vmem>> -> memref<128x128xf32, #tpu.memory_space<vmem>>
    %dma_start3A_477 = arith.constant 0 : i32
    %dma_start3A_478 = tpu.memref_slice %arg6[%dma_start3A_471, %dma_start3A_477] : memref<4x128xi32, #tpu.memory_space<vmem>> -> memref<1x128xi32, #tpu.memory_space<vmem>>
    %dma_start3A_479 = tpu.memref_squeeze %dma_start3A_478 : memref<1x128xi32, #tpu.memory_space<vmem>> -> memref<128xi32, #tpu.memory_space<vmem>>
    %dma_start3A_480 = arith.constant 0 : i32
    %dma_start3A_481 = arith.constant 0 : i32
    %dma_start3A_482 = tpu.memref_slice %arg3[%dma_start3A_480, %dma_start3A_481] : memref<500000x128xf32, #tpu.memory_space<hbm>> -> memref<500000x128xf32, #tpu.memory_space<hbm>>
    tpu.enqueue_indirect_dma source(%dma_start3A_482 : memref<500000x128xf32, #tpu.memory_space<hbm>>) target(%dma_start3A_476 : memref<128x128xf32, #tpu.memory_space<vmem>>) offsets(%dma_start3A_479 : memref<128xi32, #tpu.memory_space<vmem>>) semaphore(%arg8 : memref<!tpu.dma_semaphore, #tpu.memory_space<semaphore_mem>>)
    %dma_start3A_483 = arith.constant 3 : i32
    %dma_start3A_484 = arith.constant 3 : i32
    %dma_start3A_485 = arith.constant 0 : i32
    %dma_start3A_486 = arith.constant 0 : i32
    %dma_start3A_487 = tpu.memref_slice %arg7[%dma_start3A_484, %dma_start3A_485, %dma_start3A_486] : memref<4x128x128xf32, #tpu.memory_space<vmem>> -> memref<1x128x128xf32, #tpu.memory_space<vmem>>
    %dma_start3A_488 = tpu.memref_squeeze %dma_start3A_487 : memref<1x128x128xf32, #tpu.memory_space<vmem>> -> memref<128x128xf32, #tpu.memory_space<vmem>>
    %dma_start3A_489 = arith.constant 0 : i32
    %dma_start3A_490 = tpu.memref_slice %arg6[%dma_start3A_483, %dma_start3A_489] : memref<4x128xi32, #tpu.memory_space<vmem>> -> memref<1x128xi32, #tpu.memory_space<vmem>>
    %dma_start3A_491 = tpu.memref_squeeze %dma_start3A_490 : memref<1x128xi32, #tpu.memory_space<vmem>> -> memref<128xi32, #tpu.memory_space<vmem>>
    %dma_start3A_492 = arith.constant 0 : i32
    %dma_start3A_493 = arith.constant 0 : i32
    %dma_start3A_494 = tpu.memref_slice %arg3[%dma_start3A_492, %dma_start3A_493] : memref<500000x128xf32, #tpu.memory_space<hbm>> -> memref<500000x128xf32, #tpu.memory_space<hbm>>
    tpu.enqueue_indirect_dma source(%dma_start3A_494 : memref<500000x128xf32, #tpu.memory_space<hbm>>) target(%dma_start3A_488 : memref<128x128xf32, #tpu.memory_space<vmem>>) offsets(%dma_start3A_491 : memref<128xi32, #tpu.memory_space<vmem>>) semaphore(%arg8 : memref<!tpu.dma_semaphore, #tpu.memory_space<semaphore_mem>>)
    %dma_wait3A = arith.constant 0 : i32
    %dma_wait3A_495 = arith.constant 0 : i32
    %dma_wait3A_496 = arith.constant 0 : i32
    %dma_wait3A_497 = arith.constant 0 : i32
    %dma_wait3A_498 = tpu.memref_slice %arg7[%dma_wait3A_495, %dma_wait3A_496, %dma_wait3A_497] : memref<4x128x128xf32, #tpu.memory_space<vmem>> -> memref<1x128x128xf32, #tpu.memory_space<vmem>>
    %dma_wait3A_499 = tpu.memref_squeeze %dma_wait3A_498 : memref<1x128x128xf32, #tpu.memory_space<vmem>> -> memref<128x128xf32, #tpu.memory_space<vmem>>
    %dma_wait3A_500 = arith.constant 0 : i32
    %dma_wait3A_501 = tpu.memref_slice %arg6[%dma_wait3A, %dma_wait3A_500] : memref<4x128xi32, #tpu.memory_space<vmem>> -> memref<1x128xi32, #tpu.memory_space<vmem>>
    %dma_wait3A_502 = tpu.memref_squeeze %dma_wait3A_501 : memref<1x128xi32, #tpu.memory_space<vmem>> -> memref<128xi32, #tpu.memory_space<vmem>>
    %dma_wait3A_503 = arith.constant 0 : i32
    %dma_wait3A_504 = arith.constant 0 : i32
    %dma_wait3A_505 = tpu.memref_slice %arg3[%dma_wait3A_503, %dma_wait3A_504] : memref<500000x128xf32, #tpu.memory_space<hbm>> -> memref<500000x128xf32, #tpu.memory_space<hbm>>
    tpu.wait_indirect_dma semaphore(%arg8 : memref<!tpu.dma_semaphore, #tpu.memory_space<semaphore_mem>>) src(%dma_wait3A_505 : memref<500000x128xf32, #tpu.memory_space<hbm>>) dst(%dma_wait3A_499 : memref<128x128xf32, #tpu.memory_space<vmem>>)
    %dma_wait3A_506 = arith.constant 1 : i32
    %dma_wait3A_507 = arith.constant 1 : i32
    %dma_wait3A_508 = arith.constant 0 : i32
    %dma_wait3A_509 = arith.constant 0 : i32
    %dma_wait3A_510 = tpu.memref_slice %arg7[%dma_wait3A_507, %dma_wait3A_508, %dma_wait3A_509] : memref<4x128x128xf32, #tpu.memory_space<vmem>> -> memref<1x128x128xf32, #tpu.memory_space<vmem>>
    %dma_wait3A_511 = tpu.memref_squeeze %dma_wait3A_510 : memref<1x128x128xf32, #tpu.memory_space<vmem>> -> memref<128x128xf32, #tpu.memory_space<vmem>>
    %dma_wait3A_512 = arith.constant 0 : i32
    %dma_wait3A_513 = tpu.memref_slice %arg6[%dma_wait3A_506, %dma_wait3A_512] : memref<4x128xi32, #tpu.memory_space<vmem>> -> memref<1x128xi32, #tpu.memory_space<vmem>>
    %dma_wait3A_514 = tpu.memref_squeeze %dma_wait3A_513 : memref<1x128xi32, #tpu.memory_space<vmem>> -> memref<128xi32, #tpu.memory_space<vmem>>
    %dma_wait3A_515 = arith.constant 0 : i32
    %dma_wait3A_516 = arith.constant 0 : i32
    %dma_wait3A_517 = tpu.memref_slice %arg3[%dma_wait3A_515, %dma_wait3A_516] : memref<500000x128xf32, #tpu.memory_space<hbm>> -> memref<500000x128xf32, #tpu.memory_space<hbm>>
    tpu.wait_indirect_dma semaphore(%arg8 : memref<!tpu.dma_semaphore, #tpu.memory_space<semaphore_mem>>) src(%dma_wait3A_517 : memref<500000x128xf32, #tpu.memory_space<hbm>>) dst(%dma_wait3A_511 : memref<128x128xf32, #tpu.memory_space<vmem>>)
    %dma_wait3A_518 = arith.constant 2 : i32
    %dma_wait3A_519 = arith.constant 2 : i32
    %dma_wait3A_520 = arith.constant 0 : i32
    %dma_wait3A_521 = arith.constant 0 : i32
    %dma_wait3A_522 = tpu.memref_slice %arg7[%dma_wait3A_519, %dma_wait3A_520, %dma_wait3A_521] : memref<4x128x128xf32, #tpu.memory_space<vmem>> -> memref<1x128x128xf32, #tpu.memory_space<vmem>>
    %dma_wait3A_523 = tpu.memref_squeeze %dma_wait3A_522 : memref<1x128x128xf32, #tpu.memory_space<vmem>> -> memref<128x128xf32, #tpu.memory_space<vmem>>
    %dma_wait3A_524 = arith.constant 0 : i32
    %dma_wait3A_525 = tpu.memref_slice %arg6[%dma_wait3A_518, %dma_wait3A_524] : memref<4x128xi32, #tpu.memory_space<vmem>> -> memref<1x128xi32, #tpu.memory_space<vmem>>
    %dma_wait3A_526 = tpu.memref_squeeze %dma_wait3A_525 : memref<1x128xi32, #tpu.memory_space<vmem>> -> memref<128xi32, #tpu.memory_space<vmem>>
    %dma_wait3A_527 = arith.constant 0 : i32
    %dma_wait3A_528 = arith.constant 0 : i32
    %dma_wait3A_529 = tpu.memref_slice %arg3[%dma_wait3A_527, %dma_wait3A_528] : memref<500000x128xf32, #tpu.memory_space<hbm>> -> memref<500000x128xf32, #tpu.memory_space<hbm>>
    tpu.wait_indirect_dma semaphore(%arg8 : memref<!tpu.dma_semaphore, #tpu.memory_space<semaphore_mem>>) src(%dma_wait3A_529 : memref<500000x128xf32, #tpu.memory_space<hbm>>) dst(%dma_wait3A_523 : memref<128x128xf32, #tpu.memory_space<vmem>>)
    %dma_wait3A_530 = arith.constant 3 : i32
    %dma_wait3A_531 = arith.constant 3 : i32
    %dma_wait3A_532 = arith.constant 0 : i32
    %dma_wait3A_533 = arith.constant 0 : i32
    %dma_wait3A_534 = tpu.memref_slice %arg7[%dma_wait3A_531, %dma_wait3A_532, %dma_wait3A_533] : memref<4x128x128xf32, #tpu.memory_space<vmem>> -> memref<1x128x128xf32, #tpu.memory_space<vmem>>
    %dma_wait3A_535 = tpu.memref_squeeze %dma_wait3A_534 : memref<1x128x128xf32, #tpu.memory_space<vmem>> -> memref<128x128xf32, #tpu.memory_space<vmem>>
    %dma_wait3A_536 = arith.constant 0 : i32
    %dma_wait3A_537 = tpu.memref_slice %arg6[%dma_wait3A_530, %dma_wait3A_536] : memref<4x128xi32, #tpu.memory_space<vmem>> -> memref<1x128xi32, #tpu.memory_space<vmem>>
    %dma_wait3A_538 = tpu.memref_squeeze %dma_wait3A_537 : memref<1x128xi32, #tpu.memory_space<vmem>> -> memref<128xi32, #tpu.memory_space<vmem>>
    %dma_wait3A_539 = arith.constant 0 : i32
    %dma_wait3A_540 = arith.constant 0 : i32
    %dma_wait3A_541 = tpu.memref_slice %arg3[%dma_wait3A_539, %dma_wait3A_540] : memref<500000x128xf32, #tpu.memory_space<hbm>> -> memref<500000x128xf32, #tpu.memory_space<hbm>>
    tpu.wait_indirect_dma semaphore(%arg8 : memref<!tpu.dma_semaphore, #tpu.memory_space<semaphore_mem>>) src(%dma_wait3A_541 : memref<500000x128xf32, #tpu.memory_space<hbm>>) dst(%dma_wait3A_535 : memref<128x128xf32, #tpu.memory_space<vmem>>)
    "tpu.region"() ({
      %run_scoped3A = tpu.sem_alloc : memref<!tpu.dma_semaphore, #tpu.memory_space<semaphore_mem>>
      %dma_start3A_542 = arith.constant 0 : i32
      %dma_start3A_543 = arith.constant 0 : i32
      %dma_start3A_544 = tpu.memref_slice %arg4[%mul3A_2, %dma_start3A_542, %dma_start3A_543] : memref<128x128x128xf32, #tpu.memory_space<hbm>> -> memref<4x128x128xf32, #tpu.memory_space<hbm>>
      %dma_start3A_545 = arith.constant 0 : i32
      %dma_start3A_546 = arith.constant 0 : i32
      %dma_start3A_547 = tpu.memref_slice %arg4[%mul3A_2, %dma_start3A_545, %dma_start3A_546] : memref<128x128x128xf32, #tpu.memory_space<hbm>> -> memref<4x128x128xf32, #tpu.memory_space<hbm>>
      tpu.enqueue_dma source(%arg7 : memref<4x128x128xf32, #tpu.memory_space<vmem>>) target(%dma_start3A_547 : memref<4x128x128xf32, #tpu.memory_space<hbm>>) target_semaphore(%run_scoped3A : memref<!tpu.dma_semaphore, #tpu.memory_space<semaphore_mem>>)
      %dma_wait3A_548 = arith.constant 0 : i32
      %dma_wait3A_549 = arith.constant 0 : i32
      %dma_wait3A_550 = tpu.memref_slice %arg4[%mul3A_2, %dma_wait3A_548, %dma_wait3A_549] : memref<128x128x128xf32, #tpu.memory_space<hbm>> -> memref<4x128x128xf32, #tpu.memory_space<hbm>>
      %dma_wait3A_551 = arith.constant 0 : i32
      %dma_wait3A_552 = arith.constant 0 : i32
      %dma_wait3A_553 = tpu.memref_slice %arg4[%mul3A_2, %dma_wait3A_551, %dma_wait3A_552] : memref<128x128x128xf32, #tpu.memory_space<hbm>> -> memref<4x128x128xf32, #tpu.memory_space<hbm>>
      tpu.wait_dma2 semaphore(%run_scoped3A : memref<!tpu.dma_semaphore, #tpu.memory_space<semaphore_mem>>) src(%arg7 : memref<4x128x128xf32, #tpu.memory_space<vmem>>) dst(%dma_wait3A_553 : memref<4x128x128xf32, #tpu.memory_space<hbm>>)
      tpu.yield
    }) : () -> ()
    return
  }
}

</mosaic_0001>

<sc_bundles>
// kernel: kernel.3.cloned.1.call-start
scs
__scs_entry_jumppad:
0x0: {  	(pc) =	sbr.rel $0x88, $3  }
0x1: {  	(tag) =	ssettag $0x0;
	lr =	simm.s32 $0x1  }
0x2: {  	[smem:$0x3F9F] =	sst lr;
	_ =	strace $0xD0000000  }
0x3: {  	_ = 	snop  }
0x4: {  	_ = 	snop  }
0x5: {  	_ = 	snop  }
0x6: {  	_ = 	snop  }
0x7: {  	_ = 	snop  }
__scs_overlays_trampoline_lowered:
0x8: {  	[smem:$0x3FAE] =	sst s0  }
0x9: {  	[smem:$0x3FAF] =	sst s1  }
0xa: {  	[smem:$0x3FB0] =	sst s2  }
0xb: {  	[smem:$0x3FB1] =	sst s3  }
0xc: {  	[smem:$0x3FB2] =	sst s4  }
0xd: {  	[smem:$0x3FB3] =	sst s5  }
0xe: {  	[smem:$0x3FB4] =	sst s6  }
0xf: {  	[smem:$0x3FB5] =	sst s7  }
0x10: {  	[smem:$0x3FB6] =	sst s8  }
0x11: {  	[smem:$0x3FB7] =	sst s9;
	s0 =	simm.s32 @!p0 $0x0  }
0x12: {  	s1 =	sld [smem:$0x3F9D];
	s0 =	simm.s32 @p0 $0x1  }
0x13: {  	[smem:$0x3FB8] =	sst s0;
	s0 =	simm.s32 @!p1 $0x0  }
0x14: {  	s2 =	sld [smem:$0x3F9C];
	s0 =	simm.s32 @p1 $0x1  }
0x15: {  	[smem:$0x3FB9] =	sst s0;
	s0 =	simm.s32 @!p2 $0x0  }
0x16: {  	s3 =	sld [smem:$0x3FDB];
	s0 =	simm.s32 @p2 $0x1  }
0x17: {  	s4 =	simm.s32 $0x1BF5;
	[smem:$0x3FBB] =	sst s0  }
0x18: {  	s0 =	sld [smem:$0x3F9E];
	_ =	swait.ge [sflag:s4], $0x0  }
0x19: {  	s7 =	sld [smem:$0x3F9F]  }
0x1a: {  	s8 =	sadd.s32 $0xFFFFE003, lr  }
0x1b: {  	s9 =	sadd.s32 $0xFFFFFEF7, lr;
	s5 =	simm.s32 $0xFFFFFFFF;
	p2 =	slt.u32 s8, $0xFFFFF086  }
0x1c: {  	p1 =	slt.u32 s9, $0xF7A;
	s5 =	simm.s32 @!p2 $0x0  }
0x1d: {  	s5 =	simm.s32 @p1 $0x1;
	p0 =	seq.s32 s7, s2  }
0x1e: {  	s7 =	smul.u32 @!p0 $0xF7A, s2;
	p2 =	seq.s32 @!p0 s5, $0x0  }
0x1f: {  	s9 =	smul.u32 $0xF7A, s1;
	s8 =	simm.s32 @!p0 $0x1BF5;
	p2 =	por !p2, p0  }
0x20: {  	[sflag:s8] =	ssyncset.s32 @!p0 $0xFFFFF086;
	s6 =	sadd.s32 @!p0 s3, s7;
	s7 =	simm.s32 @!p0 $0x108  }
0x21: {  	s3 =	sadd.s32 s3, s9;
	s6 =	sadd.s32 @!p0 $0x88, s6;
	s7 =	simm.s32 @p2 $0x1082  }
0x22: {  	[simem:s7], [sflag:s8] =	dma.local @!p0 [hbm:s6], $0xF7A  }
0x23: {  	s9 =	sor.u32 $0xD0000000, s2;
	s6 =	simm.s32 $0x108;
	_ =	swait.ge @!p0 [sflag:s8], $0x0  }
0x24: {  	s3 =	sadd.s32 $0x88, s3;
	s6 =	simm.s32 @!p1 $0x1082;
	[sflag:s4] =	ssyncset.s32 $0xFFFFF086  }
0x25: {  	[simem:s6], [sflag:s4] =	dma.local [hbm:s3], $0xF7A  }
0x26: {  	[smem:$0x3F9F] =	sst s1;
	(tag) =	ssettag s2;
	_ =	strace s9  }
0x27: {  	s1 =	sld [smem:$0x3FAF]  }
0x28: {  	s2 =	sld [smem:$0x3FB0]  }
0x29: {  	s4 =	sld [smem:$0x3FB2]  }
0x2a: {  	p0 =	seq.s32 s5, $0x0;
	s5 =	sld [smem:$0x3FB3]  }
0x2b: {  	s6 =	sld [smem:$0x3FB4]  }
0x2c: {  	s7 =	sld [smem:$0x3FB5]  }
0x2d: {  	s3 =	simm.s32 $0x108;
	s8 =	sld [smem:$0x3FB6]  }
0x2e: {  	s3 =	simm.s32 @!p0 $0x1082;
	s9 =	sld [smem:$0x3FB7]  }
0x2f: {  	lr =	sadd.s32 s0, s3;
	s0 =	sld [smem:$0x3FAE]  }
0x30: {  	s3 =	sld [smem:$0x3FB1]  }
0x31: {  	[smem:$0x3FBA] =	sst s10  }
0x32: {  	s10 =	sld [smem:$0x3FB8];
	_ =	sdelay $0x3  }
0x33: {  	p0 =	seq.s32 s10, $0x1;
	s10 =	sld [smem:$0x3FBA];
	_ =	sdelay $0x3  }
0x34: {  	[smem:$0x3FBA] =	sst s10  }
0x35: {  	s10 =	sld [smem:$0x3FB9];
	_ =	sdelay $0x3  }
0x36: {  	p1 =	seq.s32 s10, $0x1;
	s10 =	sld [smem:$0x3FBA];
	_ =	sdelay $0x3  }
0x37: {  	[smem:$0x3FBA] =	sst s10  }
0x38: {  	s10 =	sld [smem:$0x3FBB]  }
0x39: {  	_ = 	snop;
	(pc) =	sbr.ind lr, $3  }
0x3a: {  	_ = 	snop  }
0x3b: {  	_ = 	snop  }
0x3c: {  	p2 =	seq.s32 s10, $0x1;
	s10 =	sld [smem:$0x3FBA]  }
0x3d: {  	_ =	shalt  }
0x3e: {  	_ =	shalt  }
0x3f: {  	_ =	shalt  }
0x40: {  	_ =	shalt  }
0x41: {  	_ =	shalt  }
0x42: {  	_ =	shalt  }
0x43: {  	_ =	shalt  }
0x44: {  	_ =	shalt  }
0x45: {  	_ =	shalt  }
0x46: {  	_ =	shalt  }
0x47: {  	_ =	shalt  }
0x48: {  	_ =	shalt  }
0x49: {  	_ =	shalt  }
0x4a: {  	_ =	shalt  }
0x4b: {  	_ =	shalt  }
0x4c: {  	_ =	shalt  }
0x4d: {  	_ =	shalt  }
0x4e: {  	_ =	shalt  }
0x4f: {  	_ =	shalt  }
0x50: {  	_ =	shalt  }
0x51: {  	_ =	shalt  }
0x52: {  	_ =	shalt  }
0x53: {  	_ =	shalt  }
0x54: {  	_ =	shalt  }
0x55: {  	_ =	shalt  }
0x56: {  	_ =	shalt  }
0x57: {  	_ =	shalt  }
0x58: {  	_ =	shalt  }
0x59: {  	_ =	shalt  }
0x5a: {  	_ =	shalt  }
0x5b: {  	_ =	shalt  }
0x5c: {  	_ =	shalt  }
0x5d: {  	_ =	shalt  }
0x5e: {  	_ =	shalt  }
0x5f: {  	_ =	shalt  }
0x60: {  	_ =	shalt  }
0x61: {  	_ =	shalt  }
0x62: {  	_ =	shalt  }
0x63: {  	_ =	shalt  }
0x64: {  	_ =	shalt  }
0x65: {  	_ =	shalt  }
0x66: {  	_ =	shalt  }
0x67: {  	_ =	shalt  }
0x68: {  	_ =	shalt  }
0x69: {  	_ =	shalt  }
0x6a: {  	_ =	shalt  }
0x6b: {  	_ =	shalt  }
0x6c: {  	_ =	shalt  }
0x6d: {  	_ =	shalt  }
0x6e: {  	_ =	shalt  }
0x6f: {  	_ =	shalt  }
0x70: {  	_ =	shalt  }
0x71: {  	_ =	shalt  }
0x72: {  	_ =	shalt  }
0x73: {  	_ =	shalt  }
0x74: {  	_ =	shalt  }
0x75: {  	_ =	shalt  }
0x76: {  	_ =	shalt  }
0x77: {  	_ =	shalt  }
0x78: {  	_ =	shalt  }
0x79: {  	_ =	shalt  }
0x7a: {  	_ =	shalt  }
0x7b: {  	_ =	shalt  }
0x7c: {  	_ =	shalt  }
0x7d: {  	_ =	shalt  }
0x7e: {  	_ =	shalt  }
0x7f: {  	_ =	shalt  }
0x80: {  	_ =	shalt  }
0x81: {  	_ =	shalt  }
0x82: {  	_ =	shalt  }
0x83: {  	_ =	shalt  }
0x84: {  	_ =	shalt  }
0x85: {  	_ =	shalt  }
0x86: {  	_ =	shalt  }
0x87: {  	_ =	shalt  }
.Lfunc_end0:
.L_simem_size_0:
called_computation_lowered:
.L_overlay_start_0:
0x88: {  	s2 =	sld [smem:$0x3FD9]  }
0x89: {  	s3 =	sld [smem:$0x3FFE];
	_ =	sdelay $0x1  }
0x8a: {  	s1 =	srdreg.scid  }
0x8b: {  	s0 =	sand.u32 $0x1, s1  }
0x8c: {  	s17 =	sshll.u32 s0, $0xA;
	s2 =	sadd.s32 s3, s2  }
0x8d: {  	s2 =	sadd.s32 s2, s17  }
0x8e: {  	[smem:$0x3FC6] =	sst s2  }
0x8f: {  	_ = 	snop  }
0x90: {  	s2 =	sld [smem:$0x3FC9];
	(tm) =	ssettm $0x1  }
0x91: {  	s18 =	sld [smem:$0x3FFB];
	_ =	sdelay $0x3  }
0x92: {  	_ =	strace s18  }
0x93: {  	s3 =	sld [smem:$0x3FFC];
	_ =	sdelay $0x3  }
0x94: {  	_ =	strace s3  }
0x95: {  	s3 =	sld [smem:$0x3FFD];
	_ =	sdelay $0x3  }
0x96: {  	_ =	strace s3  }
0x97: {  	_ =	strace $0x8FFFFFFF  }
0x98: {  	s19 =	sld [smem:$0x3FDB];
	_ =	sdelay $0x1  }
0x99: {  	s4 =	simm.s32 $_scs_section_size  }
0x9a: {  	s5 =	simm.s32 $_size__tile_overlayer_lowered;
	s6 =	simm.s32 $_tile_overlayer_lowered  }
0x9b: {  	s22 =	simm.s32 $0x1BFF;
	s21 =	sshll.u32 s6, $0x1;
	s3 =	sadd.s32 s4, s19  }
0x9c: {  	s7 =	simm.s32 $0x0;
	s20 =	sshll.u32 s5, $0x1;
	s5 =	sadd.s32 s21, s3  }
0x9d: {  	[timem:s7], [sflag:s22] =	dma.local [hbm:s5], s20  }
0x9e: {  	_ =	swait.ge [sflag:s22], s20  }
0x9f: {  	s4 =	ssub.s32 $0x0, s20;
	[sflag:s22] =	ssyncset.done $0x0  }
0xa0: {  	[sflag:s22] =	ssyncadd.s32 s4;
	_ =	sdelay $0x1  }
0xa1: {  	s23 =	simm.s32 $0x1B8B  }
0xa2: {  	_ =	swait.ge [sflag:s23], $0x1  }
0xa3: {  	[sflag:s23] =	ssyncset.done $0x0  }
0xa4: {  	s25 =	simm.s32 $0x1B8E;
	s24 =	sld [smem:$0x3FFE];
	[sflag:s23] =	ssyncadd.s32 $0xFFFFFFFF  }
0xa5: {  	s26 =	simm.s32 $execute0_lowered;
	[smem:$0x3FD2] =	sst s25  }
0xa6: {  	s5 =	sshll.u32 s26, $0x1;
	_ =	strace $0x80000046;
	[dreg:$0x1] =	wrdreg $0xFFFFFFFF  }
0xa7: {  	s28 =	simm.s32 $_size_execute0_lowered;
	s3 =	sadd.s32 s3, s5;
	[dreg:$0x0] =	wrdreg $0x0  }
0xa8: {  	s5 =	sshll.u32 s28, $0x1;
	[dreg:$0x2] =	wrdreg s3  }
0xa9: {  	[dreg:$0x3] =	wrdreg s5  }
0xaa: {  	[dreg:$0x4] =	wrdreg $0xC0  }
0xab: {  	_ =	task [dreg:s7], $0x5FFFF  }
0xac: {  	[dreg:$0x1] =	wrdreg $0xFFFFFFFF  }
0xad: {  	[dreg:$0x0] =	wrdreg $0x60  }
0xae: {  	[dreg:$0x2] =	wrdreg s2  }
0xaf: {  	[dreg:$0x3] =	wrdreg s24  }
0xb0: {  	[dreg:$0x4] =	wrdreg $0x9  }
0xb1: {  	_ =	task.clear_ibuf [dreg:s7], $0x5FFFF;
	_ =	strace $0x90000046  }
0xb2: {  	s29 =	simm.s32 $0x9;
	_ =	strace $0x80000048  }
0xb3: {  	_ =	swait.ge [sflag:s29], $0x1  }
0xb4: {  	[sflag:s29] =	ssyncadd.s32 $0xFFFFFFFF  }
0xb5: {  	_ =	strace $0x90000048  }
0xb6: {  	_ =	sfence  }
0xb7: {  	s30 =	sld [smem:$0x0];
	_ =	sdelay $0x2  }
0xb8: {  	s31 =	sshll.u32 s1, $0xD;
	s1 =	sshrl.u32 s1, $0x2  }
0xb9: {  	s3 =	sand.u32 $0x4000, s31;
	s1 =	sadd.s32 s1, s30  }
0xba: {  	s0 =	sor.u32 s3, s0;
	s1 =	sshll.u32 s1, $0x11  }
0xbb: {  	s0 =	sor.u32 s1, s0  }
0xbc: {  	s0 =	sadd.s32 $0x8F2B, s0  }
0xbd: {  	[sflag:s0] =	ssyncadd.remote.s32 $0x1  }
0xbe: {  	_ =	sfence.sel $0xFFFF  }
0xbf: {  	[dreg:$0x0] =	wrdreg $0xFFFFFFFF;
	(pc) =	sbr.abs _section_cstart, $3  }
0xc0: {  	[dreg:$0x1] =	wrdreg $0xFFFFFFFF  }
0xc1: {  	_ =	task.clear_ibuf [dreg:s7], $0x2FFFF;
	_ =	strace $0x9FFFFFFF  }
0xc2: {  	(tm) =	ssettm $0x7FFFFFFF  }
0xc3: {  	_ =	shalt  }
tec
execute0_lowered:
.L_overlay_start_1:
0x0: {  	(tag) =	ssettag $0x1  }
0x1: {  	s3 =	rddreg [dreg:$0x0]  }
0x2: {  	s2 =	rddreg [dreg:$0x1]  }
0x3: {  	s0 =	rddreg [dreg:$0x2];
	s1 =	simm.s32 $0x0  }
0x4: {  	s4 =	srdreg.scid;
	s11 =	simm.s32 $0x4400;
	s12 =	simm.s32 $0x300  }
0x5: {  	[smem:$0x7FF] =	sst s1;
	s4 =	sand.u32 $0x1, s4;
	s5 =	sadd.s32 $0xF42C00, s2  }
0x6: {  	s6 =	sshll.u32 s4, $0xD;
	s7 =	ssub.s32 $0x2, s4;
	s4 =	sshll.u32 s4, $0x6  }
0x7: {  	s6 =	sadd.s32 s6, s2;
	s2 =	stileid.u32;
	s8 =	sshrl.u32 s7, $0x1  }
0x8: {  	s3 =	sadd.s32 s3, s4;
	s10 =	sshll.u32 s2, $0x7;
	s7 =	ssub.s32 s7, s8  }
0x9: {  	_ =	strace $0x80000047;
	s16 =	sadd.s32 s10, s3;
	s17 =	smax.u32 s7, $0x1  }
0xa: {  	[tilespmem:s1], [sflag:$0x2] =	stream.linear.gather [hbm4b:s16+s1], $0x200, $0x38;
	[tilespmem:$0x10400] =	vst v63  }
0xb: {  	s13 =	simm.s32 $0x8400;
	s3 =	simm.s32 $0x2;
	p0 =	sne.s32 s17, $0x1  }
.Ltmp0:
0xc: {  	s14 =	simm.s32 $0x380;
	_ =	swait.ge [sflag:s3], $0x200;
	(pc) =	sbr.rel @!p0 .LBB2_2-.Ltmp0, $4  }
0xd: {  	s15 =	simm.s32 $0xC400;
	s9 =	sshll.u32 s2, $0xE;
	[sflag:s3] =	ssyncset.done $0x0  }
0xe: {  	s8 =	simm.s32 $0x1;
	s31 =	sadd.s32 s9, s6;
	[sflag:s3] =	ssyncadd.s32 $0xFFFFFE00  }
0xf: {  	s7 =	simm.s32 $0x80;
	s9 =	simm.s32 $0x200;
	s6 =	simm.s32 $0x400;
	v0 =	vld [tilespmem:$0x130]  }
0x10: {  	s10 =	simm.s32 $0x280;
	s4 =	sadd.s32 $0x800, s31;
	s17 =	sadd.s32 $0xFFFFFFFF, s17;
	v1 =	vld [tilespmem:$0x1C0]  }
.LBB2_1:
0x11: {  	p0 =	sne.s32 s17, $0x1;
	s17 =	sadd.s32 $0xFFFFFFFF, s17;
	v2 =	vld [tilespmem:$0x1D0]  }
0x12: {  	v3 =	vld [tilespmem:$0x1E0]  }
0x13: {  	v4 =	vld [tilespmem:$0x20]  }
0x14: {  	v5 =	vld [tilespmem:$0x0]  }
0x15: {  	v6 =	vld [tilespmem:$0x40]  }
0x16: {  	v2 =	vshrl.u32 v2, $0x1;
	v7 =	vld [tilespmem:$0x1F0]  }
0x17: {  	v1 =	vshrl.u32 v1, $0x1;
	v8 =	vld [tilespmem:$0x170];
	[tilespmem:$0x3D0] =	vst v2;
	v2 =	vshrl.u32 v3, $0x1  }
0x18: {  	v0 =	vshrl.u32 v0, $0x1;
	v3 =	vshrl.u32 v4, $0x1;
	v4 =	vld [tilespmem:$0x190];
	[tilespmem:$0x3E0] =	vst v2  }
0x19: {  	v2 =	vshrl.u32 v5, $0x1;
	[tilespmem:$0x220] =	vst v3;
	v3 =	vld [tilespmem:$0x180]  }
0x1a: {  	[tilespmem:$0x200] =	vst v2;
	v2 =	vld [tilespmem:$0x80]  }
0x1b: {  	v5 =	vld [tilespmem:$0x50];
	[tilespmem:$0x330] =	vst v0;
	v0 =	vshrl.u32 v7, $0x1  }
0x1c: {  	v7 =	vld [tilespmem:$0x60];
	v8 =	vshrl.u32 v8, $0x1;
	[tilespmem:$0x3C0] =	vst v1  }
0x1d: {  	v1 =	vld [tilespmem:$0x70];
	v4 =	vshrl.u32 v4, $0x1;
	[tilespmem:$0x3F0] =	vst v0  }
0x1e: {  	v0 =	vshrl.u32 v6, $0x1;
	v6 =	vld [tilespmem:$0x160];
	[tilespmem:$0x370] =	vst v8;
	v3 =	vshrl.u32 v3, $0x1  }
0x1f: {  	v8 =	vld [tilespmem:$0x90];
	[tilespmem:$0x390] =	vst v4  }
0x20: {  	v4 =	vshrl.u32 v5, $0x1;
	v5 =	vld [tilespmem:$0x150];
	[tilespmem:$0x380] =	vst v3  }
0x21: {  	[tilespmem:$0x240] =	vst v0;
	v0 =	vshrl.u32 v7, $0x1;
	v3 =	vld [tilespmem:$0xA0]  }
0x22: {  	[tilespmem:$0x250] =	vst v4;
	v1 =	vshrl.u32 v1, $0x1;
	v4 =	vld [tilespmem:$0x140]  }
0x23: {  	v7 =	vld [tilespmem:$0x30];
	[tilespmem:$0x260] =	vst v0;
	v0 =	vshrl.u32 v2, $0x1;
	v2 =	vshrl.u32 v6, $0x1  }
0x24: {  	[tilespmem:$0x270] =	vst v1;
	v1 =	vld [tilespmem:$0xB0]  }
0x25: {  	v6 =	vshrl.u32 v8, $0x1;
	v8 =	vld [tilespmem:$0xC0];
	v5 =	vshrl.u32 v5, $0x1;
	[tilespmem:$0x360] =	vst v2  }
0x26: {  	[tilespmem:$0x280] =	vst v0;
	v0 =	vshrl.u32 v3, $0x1;
	v2 =	vld [tilespmem:$0x120]  }
0x27: {  	v3 =	vld [tilespmem:$0xD0];
	v4 =	vshrl.u32 v4, $0x1;
	[tilespmem:$0x350] =	vst v5  }
0x28: {  	v5 =	vshrl.u32 v7, $0x1;
	[tilespmem:$0x2A0] =	vst v0;
	v0 =	vld [tilespmem:$0x110]  }
0x29: {  	v1 =	vshrl.u32 v1, $0x1;
	v7 =	vld [tilespmem:$0xE0];
	[tilespmem:$0x340] =	vst v4  }
0x2a: {  	[tilespmem:$0x230] =	vst v5;
	v4 =	vshrl.u32 v8, $0x1;
	v5 =	vld [tilespmem:$0x100]  }
0x2b: {  	[tilespmem:$0x2B0] =	vst v1;
	v1 =	vshrl.u32 v2, $0x1  }
0x2c: {  	[tilespmem:$0x2C0] =	vst v4;
	v2 =	vshrl.u32 v3, $0x1;
	v3 =	vld [tilespmem:$0xF0]  }
0x2d: {  	v4 =	vld [tilespmem:$0x10];
	v0 =	vshrl.u32 v0, $0x1;
	[tilespmem:$0x320] =	vst v1  }
0x2e: {  	[tilespmem:$0x2D0] =	vst v2;
	v1 =	vshrl.u32 v7, $0x1;
	v2 =	vld [tilespmem:$0x1A0]  }
0x2f: {  	v5 =	vshrl.u32 v5, $0x1;
	[tilespmem:$0x310] =	vst v0;
	v0 =	vld [tilespmem:$0x1B0]  }
0x30: {  	[tilespmem:$0x2E0] =	vst v1  }
0x31: {  	v1 =	vshrl.u32 v3, $0x1;
	[tilespmem:$0x300] =	vst v5  }
0x32: {  	v3 =	vshrl.u32 v4, $0x1;
	[tilespmem:$0x290] =	vst v6  }
0x33: {  	[tilespmem:$0x2F0] =	vst v1;
	v1 =	vshrl.u32 v2, $0x1  }
0x34: {  	[tilespmem:$0x3A0] =	vst v1;
	v0 =	vshrl.u32 v0, $0x1  }
0x35: {  	[tilespmem:$0x3B0] =	vst v0  }
0x36: {  	[tilespmem:$0x210] =	vst v3  }
0x37: {  	[tilespmem:s6], [sflag:$0x1] =	stream.indirect.gather [hbm4b:s5+s7], $0x80, s9, s7, $0xb8;
	[tilespmem:$0x10400] =	vst v63  }
0x38: {  	_ = 	snop  }
0x39: {  	[tilespmem:s11], [sflag:$0x1] =	stream.indirect.gather [hbm4b:s5+s7], $0x80, s10, s7, $0xb8;
	[tilespmem:$0x10400] =	vst v63  }
0x3a: {  	_ = 	snop  }
0x3b: {  	[tilespmem:s13], [sflag:$0x1] =	stream.indirect.gather [hbm4b:s5+s7], $0x80, s12, s7, $0xb8;
	[tilespmem:$0x10400] =	vst v63  }
0x3c: {  	_ = 	snop  }
0x3d: {  	[tilespmem:s15], [sflag:$0x1] =	stream.indirect.gather [hbm4b:s5+s7], $0x80, s14, s7, $0xb8;
	[tilespmem:$0x10400] =	vst v63  }
0x3e: {  	_ =	swait.ge [sflag:s8], $0x4000  }
0x3f: {  	[sflag:s8] =	ssyncset.done $0x0  }
0x40: {  	[sflag:s8] =	ssyncadd.s32 $0xFFFFC000  }
0x41: {  	_ =	swait.ge [sflag:s8], $0x4000  }
0x42: {  	[sflag:s8] =	ssyncset.done $0x0  }
0x43: {  	[sflag:s8] =	ssyncadd.s32 $0xFFFFC000  }
0x44: {  	_ =	swait.ge [sflag:s8], $0x4000  }
0x45: {  	[sflag:s8] =	ssyncset.done $0x0  }
0x46: {  	[sflag:s8] =	ssyncadd.s32 $0xFFFFC000  }
0x47: {  	_ =	swait.ge [sflag:s8], $0x4000  }
0x48: {  	[sflag:s8] =	ssyncset.done $0x0  }
0x49: {  	[sflag:s8] =	ssyncadd.s32 $0xFFFFC000  }
0x4a: {  	[hbm4b:s4+s1] =	stream.linear.scatter [tilespmem:s6], [sflag:$0x2], $0x10000, $0x38;
	[tilespmem:$0x10400] =	vst v63  }
0x4b: {  	_ =	swait.ge [sflag:s3], $0x10000  }
0x4c: {  	[sflag:s3] =	ssyncset.done $0x0  }
0x4d: {  	[sflag:s3] =	ssyncadd.s32 $0xFFFF0000  }
0x4e: {  	[tilespmem:s1], [sflag:$0x2] =	stream.linear.gather [hbm4b:s16+s1], $0x200, $0x38;
	[tilespmem:$0x10400] =	vst v63  }
.Ltmp1:
0x4f: {  	_ =	swait.ge [sflag:s3], $0x200;
	(pc) =	sbr.rel @p0 .LBB2_1-.Ltmp1, $4  }
0x50: {  	[sflag:s3] =	ssyncset.done $0x0  }
0x51: {  	[sflag:s3] =	ssyncadd.s32 $0xFFFFFE00  }
0x52: {  	v0 =	vld [tilespmem:$0x130]  }
0x53: {  	v1 =	vld [tilespmem:$0x1C0]  }
.LBB2_2:
0x54: {  	v2 =	vld [tilespmem:$0x1D0]  }
0x55: {  	v3 =	vld [tilespmem:$0x1E0]  }
0x56: {  	v4 =	vld [tilespmem:$0x20]  }
0x57: {  	v5 =	vld [tilespmem:$0x0];
	v0 =	vshrl.u32 v0, $0x1  }
0x58: {  	v6 =	vld [tilespmem:$0x1F0];
	v1 =	vshrl.u32 v1, $0x1;
	[tilespmem:$0x330] =	vst v0  }
0x59: {  	v29 =	vld [tilespmem:$0x170];
	v2 =	vshrl.u32 v2, $0x1;
	[tilespmem:$0x3C0] =	vst v1  }
0x5a: {  	v33 =	vld [tilespmem:$0x50];
	v28 =	vshrl.u32 v3, $0x1;
	[tilespmem:$0x3D0] =	vst v2  }
0x5b: {  	v34 =	vld [tilespmem:$0x60];
	v4 =	vshrl.u32 v4, $0x1;
	[tilespmem:$0x3E0] =	vst v28  }
0x5c: {  	v35 =	vld [tilespmem:$0x70];
	v5 =	vshrl.u32 v5, $0x1;
	[tilespmem:$0x220] =	vst v4  }
0x5d: {  	v37 =	vld [tilespmem:$0x80];
	v6 =	vshrl.u32 v6, $0x1;
	[tilespmem:$0x200] =	vst v5  }
0x5e: {  	v39 =	vld [tilespmem:$0xA0];
	v3 =	vshrl.u32 v29, $0x1;
	[tilespmem:$0x3F0] =	vst v6  }
0x5f: {  	v42 =	vld [tilespmem:$0x30];
	v0 =	vshrl.u32 v33, $0x1;
	[tilespmem:$0x370] =	vst v3  }
0x60: {  	v45 =	vld [tilespmem:$0xC0];
	v1 =	vshrl.u32 v34, $0x1;
	[tilespmem:$0x250] =	vst v0  }
0x61: {  	v48 =	vld [tilespmem:$0xD0];
	v40 =	vshrl.u32 v35, $0x1;
	[tilespmem:$0x260] =	vst v1  }
0x62: {  	v51 =	vld [tilespmem:$0xE0];
	v43 =	vshrl.u32 v37, $0x1;
	[tilespmem:$0x270] =	vst v40  }
0x63: {  	v56 =	vld [tilespmem:$0xF0];
	v46 =	vshrl.u32 v39, $0x1;
	[tilespmem:$0x280] =	vst v43  }
0x64: {  	v59 =	vld [tilespmem:$0x1B0];
	v49 =	vshrl.u32 v42, $0x1;
	[tilespmem:$0x2A0] =	vst v46  }
0x65: {  	v60 =	vld [tilespmem:$0x10];
	v52 =	vshrl.u32 v45, $0x1;
	[tilespmem:$0x230] =	vst v49  }
0x66: {  	v30 =	vld [tilespmem:$0x190];
	v55 =	vshrl.u32 v48, $0x1;
	[tilespmem:$0x2C0] =	vst v52  }
0x67: {  	v31 =	vld [tilespmem:$0x180];
	v58 =	vshrl.u32 v51, $0x1;
	[tilespmem:$0x2D0] =	vst v55  }
0x68: {  	v32 =	vld [tilespmem:$0x40];
	v61 =	vshrl.u32 v56, $0x1;
	[tilespmem:$0x2E0] =	vst v58  }
0x69: {  	v36 =	vld [tilespmem:$0x160];
	v62 =	vshrl.u32 v59, $0x1;
	[tilespmem:$0x2F0] =	vst v61  }
0x6a: {  	v41 =	vld [tilespmem:$0x140];
	v63 =	vshrl.u32 v60, $0x1;
	[tilespmem:$0x3B0] =	vst v62  }
0x6b: {  	v50 =	vld [tilespmem:$0x110];
	v2 =	vshrl.u32 v30, $0x1;
	[tilespmem:$0x210] =	vst v63  }
0x6c: {  	v57 =	vld [tilespmem:$0x1A0];
	v4 =	vshrl.u32 v31, $0x1;
	[tilespmem:$0x390] =	vst v2  }
0x6d: {  	v38 =	vld [tilespmem:$0x150];
	v5 =	vshrl.u32 v32, $0x1;
	[tilespmem:$0x380] =	vst v4  }
0x6e: {  	v44 =	vld [tilespmem:$0xB0];
	v3 =	vshrl.u32 v36, $0x1;
	[tilespmem:$0x240] =	vst v5  }
0x6f: {  	v47 =	vld [tilespmem:$0x120];
	v6 =	vshrl.u32 v41, $0x1;
	[tilespmem:$0x360] =	vst v3  }
0x70: {  	v53 =	vld [tilespmem:$0x100];
	v1 =	vshrl.u32 v50, $0x1;
	[tilespmem:$0x340] =	vst v6  }
0x71: {  	v54 =	vld [tilespmem:$0x90];
	v0 =	vshrl.u32 v57, $0x1;
	[tilespmem:$0x310] =	vst v1  }
0x72: {  	v4 =	vshrl.u32 v38, $0x1;
	[tilespmem:$0x3A0] =	vst v0  }
0x73: {  	v2 =	vshrl.u32 v44, $0x1;
	[tilespmem:$0x350] =	vst v4  }
0x74: {  	v5 =	vshrl.u32 v47, $0x1;
	[tilespmem:$0x2B0] =	vst v2  }
0x75: {  	v3 =	vshrl.u32 v53, $0x1;
	[tilespmem:$0x320] =	vst v5  }
0x76: {  	v2 =	vshrl.u32 v54, $0x1;
	[tilespmem:$0x300] =	vst v3  }
0x77: {  	[tilespmem:$0x290] =	vst v2  }
0x78: {  	[tilespmem:s6], [sflag:$0x1] =	stream.indirect.gather [hbm4b:s5+s7], $0x80, s9, s7, $0xb8;
	[tilespmem:$0x10400] =	vst v63  }
0x79: {  	_ = 	snop  }
0x7a: {  	[tilespmem:s11], [sflag:$0x1] =	stream.indirect.gather [hbm4b:s5+s7], $0x80, s10, s7, $0xb8;
	[tilespmem:$0x10400] =	vst v63  }
0x7b: {  	_ = 	snop  }
0x7c: {  	[tilespmem:s13], [sflag:$0x1] =	stream.indirect.gather [hbm4b:s5+s7], $0x80, s12, s7, $0xb8;
	[tilespmem:$0x10400] =	vst v63  }
0x7d: {  	_ = 	snop  }
0x7e: {  	[tilespmem:s15], [sflag:$0x1] =	stream.indirect.gather [hbm4b:s5+s7], $0x80, s14, s7, $0xb8;
	[tilespmem:$0x10400] =	vst v63  }
0x7f: {  	_ =	swait.ge [sflag:s8], $0x4000  }
0x80: {  	[sflag:s8] =	ssyncset.done $0x0  }
0x81: {  	[sflag:s8] =	ssyncadd.s32 $0xFFFFC000  }
0x82: {  	_ =	swait.ge [sflag:s8], $0x4000  }
0x83: {  	[sflag:s8] =	ssyncset.done $0x0  }
0x84: {  	[sflag:s8] =	ssyncadd.s32 $0xFFFFC000  }
0x85: {  	_ =	swait.ge [sflag:s8], $0x4000  }
0x86: {  	[sflag:s8] =	ssyncset.done $0x0  }
0x87: {  	[sflag:s8] =	ssyncadd.s32 $0xFFFFC000  }
0x88: {  	_ =	swait.ge [sflag:s8], $0x4000  }
0x89: {  	[sflag:s8] =	ssyncset.done $0x0  }
0x8a: {  	[sflag:s8] =	ssyncadd.s32 $0xFFFFC000  }
0x8b: {  	[hbm4b:s4+s1] =	stream.linear.scatter [tilespmem:s6], [sflag:$0x2], $0x10000, $0x38;
	[tilespmem:$0x10400] =	vst v63  }
0x8c: {  	_ =	swait.ge [sflag:s3], $0x10000  }
0x8d: {  	[sflag:s3] =	ssyncset.done $0x0  }
0x8e: {  	[sflag:s3] =	ssyncadd.s32 $0xFFFF0000  }
0x8f: {  	_ =	sfence.sel $0x180000  }
0x90: {  	[bflag:$0x0] =	sbarrier.arrive $0xFFFF  }
0x91: {  	p0 =	sne.s32 s2, $0x0;
	_ =	strace $0x90000047  }
0x92: {  	s0 =	sadd.s32 @!p0 $0x100000, s0;
	[bflag:$0x2] =	sbarrier.arrive $0xFFFF  }
0x93: {  	[sflag:s0] =	ssyncadd.tile.s32 @!p0 $0x1;
	_ =	shalt  }
.Lfunc_end2:
_tile_overlayer_lowered:
.L_overlay_start_2:
0x94: {  	(tag) =	ssettag $0x2  }
0x95: {  	s0 =	rddreg [dreg:$0x0];
	s2 =	stileid.u32  }
0x96: {  	s1 =	rddreg [dreg:$0x1];
	p0 =	sne.s32 s2, $0x0  }
0x97: {  	s3 =	rddreg [dreg:$0x2];
	[bflag:$0x3] =	sbarrier.arrive $0xFFFF;
	s2 =	simm.s32 @!p0 $0x1C02  }
0x98: {  	[timem:s3], [sflag:s2] =	dma.local @!p0 [hbm:s0], s1  }
0x99: {  	s0 =	simm.s32 @!p0 $0x2  }
0x9a: {  	_ =	swait.ge @!p0 [sflag:s0], s1  }
0x9b: {  	s1 =	ssub.s32 @!p0 $0x0, s1;
	[sflag:s0] =	ssyncset.done @!p0 $0x0  }
0x9c: {  	[sflag:s0] =	ssyncadd.s32 @!p0 s1  }
0x9d: {  	[bflag:$0x3] =	sbarrier.arrive $0xFFFF  }
0x9e: {  	_ =	shalt  }

</sc_bundles>
